<compile_context>
chip_gen: v7x
topology: tpu7x:2x2x1
jax: 0.10.2.dev20260603
libtpu: 0.0.44.dev20260713+nightly
codegen_flags: <defaults>
</compile_context>

<pallas_src>
import functools
import jax
import jax.numpy as jnp
from jax import lax
from jax.experimental import pallas as pl
from jax.experimental.pallas import tpu as pltpu
from jax.experimental.pallas import tpu_sc as plsc

K_SIM = 8
K_CON = 4
KP = 16
NEG_BIG = -1.0e9
POS_BIG = 1.0e9
KILL_NEG = -3.0e9
KILL_POS = 3.0e9
INVALID_THRESH = -0.5e9


def _norm_body(x_ref, xn_ref):
    x = x_ref[...]
    n = jnp.sqrt(jnp.sum(x * x, axis=-1, keepdims=True))
    xn_ref[...] = (x / jnp.maximum(n, 1e-12)).astype(jnp.bfloat16)


def _picks_body(params_ref, xn_ref, idx_ref, w_ref, sim_ref, *, T, Bq,
                k_sim, k_con):
    b = pl.program_id(0)
    qi = pl.program_id(1)
    nkb = T // Bq
    qbase = qi * Bq
    Xnq = xn_ref[0, pl.ds(qbase, Bq), :]
    for kb in range(nkb):
        @pl.when(kb <= qi)
        def _(kb=kb):
            Xk = xn_ref[0, pl.ds(kb * Bq, Bq), :]
            sim_ref[:, kb * Bq:(kb + 1) * Bq] = jax.lax.dot_general(
                Xnq, Xk, (((1,), (1,)), ((), ())),
                preferred_element_type=jnp.float32,
            )
    rows = qbase + jax.lax.broadcasted_iota(jnp.int32, (Bq, 1), 0)
    cols = jax.lax.broadcasted_iota(jnp.int32, (Bq, T), 1)
    valid = cols < rows
    work = jnp.where(valid, sim_ref[...], NEG_BIG)

    alpha = params_ref[1]
    gbase = b * T

    idxs, oks = [], []
    for _ in range(k_sim):
        m = jnp.max(work, axis=1, keepdims=True)
        hit = work == m
        idx = jnp.min(jnp.where(hit, cols, T), axis=1, keepdims=True)
        pick = cols == idx
        oks.append(m > INVALID_THRESH)
        idxs.append(idx)
        work = jnp.where(pick, KILL_NEG, work)
    deg_sim = functools.reduce(
        lambda a, c: a + c.astype(jnp.float32), oks, jnp.zeros((Bq, 1)))

    simc = jnp.where(work > INVALID_THRESH, work, POS_BIG)
    mcon = jnp.maximum(0, k_con - (T - rows))
    oks_c, idxs_c = [], []
    for j in range(k_con):
        mn = jnp.min(simc, axis=1, keepdims=True)
        hit = simc == mn
        idx = jnp.min(jnp.where(hit, cols, T), axis=1, keepdims=True)
        pick = cols == idx
        oks_c.append((mn < -INVALID_THRESH) & (j < mcon))
        idxs_c.append(idx)
        simc = jnp.where(pick, KILL_POS, simc)
    deg_con = functools.reduce(
        lambda a, c: a + c.astype(jnp.float32), oks_c, jnp.zeros((Bq, 1)))

    w_sim = alpha / jnp.maximum(deg_sim, 1.0)
    w_con = (1.0 - alpha) / jnp.maximum(deg_con, 1.0)
    gidxs = [jnp.where(ok, idx + gbase, 0) for ok, idx in zip(oks, idxs)]
    gidxs += [jnp.where(ok, idx + gbase, 0) for ok, idx in zip(oks_c, idxs_c)]
    ws = [jnp.where(ok, w_sim, 0.0) for ok in oks]
    ws += [jnp.where(ok, w_con, 0.0) for ok in oks_c]
    npad = KP - len(gidxs)
    gidxs += [jnp.zeros((Bq, 1), jnp.int32)] * npad
    ws += [jnp.zeros((Bq, 1), jnp.float32)] * npad
    idx_ref[0] = jnp.concatenate(gidxs, axis=1)
    w_ref[0] = jnp.concatenate(ws, axis=1)


def _make_sc_agg(BT, D, NC, NW, L, C):
    Q = BT // NW

    def _sc_agg(x_hbm, gidx_hbm, wexp_hbm, out_hbm, idx_v, rows_v, wv_v,
                out_v, sem):
        wid = lax.axis_index("s") * NC + lax.axis_index("c")
        base = wid * Q

        def chunk(ci, carry):
            qb = base + ci * C
            pltpu.sync_copy(gidx_hbm.at[pl.ds(qb * KP, C * KP)], idx_v)
            pltpu.sync_copy(wexp_hbm.at[pl.ds(qb * KP, C * KP)], wv_v)
            pltpu.async_copy(x_hbm.at[idx_v], rows_v, sem).wait()
            for qq in range(C):
                wvecs = [wv_v[qq * KP + k] for k in range(KP)]

                def gbody(g, carry2, qq=qq, wvecs=wvecs):
                    s = pl.ds(g * L, L)
                    acc = rows_v[qq * KP, s] * wvecs[0]
                    for k in range(1, KP):
                        acc = acc + rows_v[qq * KP + k, s] * wvecs[k]
                    out_v[qq, s] = acc
                    return carry2

                lax.fori_loop(0, D // L, gbody, 0)
            pltpu.sync_copy(out_v, out_hbm.at[pl.ds(qb, C)])
            return carry

        lax.fori_loop(0, Q // C, chunk, 0)

    return _sc_agg


def _epi_body(params_ref, gain_ref, bias_ref, x_ref, ctx_ref, out_ref):
    mix = params_ref[0]
    scale = params_ref[2]
    blended = mix * x_ref[...] + (1.0 - mix) * ctx_ref[...]
    t = blended * gain_ref[...] + bias_ref[...]
    g = 0.5 * t * (1.0 + jax.lax.erf(t * 0.7071067811865476))
    out_ref[...] = g * scale


def kernel(x, gain, bias, log_mix, log_alpha, log_scale):
    B, T, D = x.shape
    BT = B * T
    Bq = 256
    k_sim = min(K_SIM, T - 1)
    k_con = min(K_CON, max(0, T - 1 - k_sim))

    mix = jax.nn.sigmoid(log_mix)
    alpha = jax.nn.sigmoid(log_alpha)
    scale = jax.nn.softplus(log_scale) + 0.01
    params = jnp.stack([mix, alpha, scale]).astype(jnp.float32)

    xn = pl.pallas_call(
        _norm_body,
        grid=(BT // Bq,),
        in_specs=[pl.BlockSpec((Bq, D), lambda i: (i, 0))],
        out_specs=pl.BlockSpec((Bq, D), lambda i: (i, 0)),
        out_shape=jax.ShapeDtypeStruct((BT, D), jnp.bfloat16),
    )(x.reshape(BT, D)).reshape(B, T, D)

    gidx, w = pl.pallas_call(
        functools.partial(_picks_body, T=T, Bq=Bq, k_sim=k_sim, k_con=k_con),
        grid=(B, T // Bq),
        in_specs=[
            pl.BlockSpec(memory_space=pltpu.SMEM),
            pl.BlockSpec((1, T, D), lambda b, q: (b, 0, 0)),
        ],
        out_specs=[
            pl.BlockSpec((1, Bq, KP), lambda b, q: (b, q, 0)),
            pl.BlockSpec((1, Bq, KP), lambda b, q: (b, q, 0)),
        ],
        out_shape=[
            jax.ShapeDtypeStruct((B, T, KP), jnp.int32),
            jax.ShapeDtypeStruct((B, T, KP), jnp.float32),
        ],
        scratch_shapes=[pltpu.VMEM((Bq, T), jnp.float32)],
    )(params, xn)

    info = plsc.get_sparse_core_info()
    NC, NS, L = info.num_cores, info.num_subcores, info.num_lanes
    NW = NC * NS
    C = 2
    gidx1 = gidx.reshape(BT * KP)
    wexp = jnp.broadcast_to(w.reshape(BT * KP, 1), (BT * KP, L))

    mesh = plsc.VectorSubcoreMesh(core_axis_name="c", subcore_axis_name="s")
    ctx = pl.kernel(
        _make_sc_agg(BT, D, NC, NW, L, C),
        mesh=mesh,
        out_type=jax.ShapeDtypeStruct((BT, D), jnp.float32),
        scratch_types=[
            pltpu.VMEM((C * KP,), jnp.int32),
            pltpu.VMEM((C * KP, D), jnp.float32),
            pltpu.VMEM((C * KP, L), jnp.float32),
            pltpu.VMEM((C, D), jnp.float32),
            pltpu.SemaphoreType.DMA,
        ],
    )(x.reshape(BT, D), gidx1, wexp)

    delta = pl.pallas_call(
        _epi_body,
        grid=(BT // Bq,),
        in_specs=[
            pl.BlockSpec(memory_space=pltpu.SMEM),
            pl.BlockSpec((1, D), lambda i: (0, 0)),
            pl.BlockSpec((1, D), lambda i: (0, 0)),
            pl.BlockSpec((Bq, D), lambda i: (i, 0)),
            pl.BlockSpec((Bq, D), lambda i: (i, 0)),
        ],
        out_specs=pl.BlockSpec((Bq, D), lambda i: (i, 0)),
        out_shape=jax.ShapeDtypeStruct((BT, D), jnp.float32),
    )(params, gain.reshape(1, D), bias.reshape(1, D), x.reshape(BT, D), ctx)

    return delta.reshape(B, T, D)

# --- scband reference (transcript-rebuilt; emitter-appended) ---
"""Pipeline reference for scband-dgn4-70428873720435 (READ-ONLY COPY).

The authoritative reference and input builder live on the scoring server;
editing this copy changes nothing except your own understanding.
"""

import jax, jax.numpy as jnp
import numpy as np

K_SIM = 8
K_CON = 4


def _causal_dual_adjacency(x, k_sim, k_con):
    B, T, D = x.shape
    x = jax.lax.stop_gradient(x)
    xn = x / jnp.maximum(jnp.linalg.norm(x, axis=-1, keepdims=True), 1e-12)
    sim = xn @ jnp.swapaxes(xn, -2, -1)
    past = jnp.tril(jnp.ones((T, T), dtype=x.dtype), k=-1)
    sim = sim * past - 1000000000.0 * (1.0 - past)
    eff_sim = min(k_sim, T - 1)
    eff_con = min(k_con, max(0, T - 1 - eff_sim))
    A_sim = jnp.zeros((B, T, T), dtype=x.dtype)
    A_con = jnp.zeros((B, T, T), dtype=x.dtype)
    b_idx = jnp.arange(B)[:, None, None]
    t_idx = jnp.arange(T)[None, :, None]
    if eff_sim > 0:
        _, top_idx = jax.lax.top_k(sim, eff_sim)
        A_sim = A_sim.at[b_idx, t_idx, top_idx].set(1.0)
        A_sim = A_sim * past
    if eff_con > 0:
        sim_con = jnp.where(A_sim.astype(bool), 1000000000.0, sim)
        _, bot_idx = jax.lax.top_k(-sim_con, eff_con)
        A_con = A_con.at[b_idx, t_idx, bot_idx].set(1.0)
        A_con = A_con * past
        A_con = A_con * (1.0 - A_sim)
    return A_sim, A_con


def unweighted_aggregate(x, A):
    deg = jnp.sum(A, axis=-1, keepdims=True)
    return (A @ x) / jnp.maximum(deg, 1.0)


def setup_inputs(seed: int = 0):
    key = jax.random.key(seed)
    B, T, D = 2, 2048, 2048
    x = jax.random.normal(jax.random.fold_in(key, 0), (B, T, D), dtype=jnp.float32)
    gain = jnp.ones((D,), dtype=jnp.float32)
    bias = jnp.zeros((D,), dtype=jnp.float32)
    log_mix = jnp.zeros((), dtype=jnp.float32)
    log_alpha = jnp.zeros((), dtype=jnp.float32)
    log_scale = jnp.zeros((), dtype=jnp.float32)
    return {"x": x, "gain": gain, "bias": bias, "log_mix": log_mix, "log_alpha": log_alpha, "log_scale": log_scale}


def reference(x, gain, bias, log_mix, log_alpha, log_scale):
    mix = jax.nn.sigmoid(log_mix)
    alpha = jax.nn.sigmoid(log_alpha)
    scale = jax.nn.softplus(log_scale) + 0.01
    A_sim, A_con = _causal_dual_adjacency(x, K_SIM, K_CON)
    A_sim = jax.lax.stop_gradient(A_sim)
    A_con = jax.lax.stop_gradient(A_con)
    msg_pos = unweighted_aggregate(x, A_sim)
    msg_neg = unweighted_aggregate(x, A_con)
    ctx = alpha * msg_pos + (1.0 - alpha) * msg_neg
    blended = mix * x + (1.0 - mix) * ctx
    delta = jax.nn.gelu(blended * gain + bias, approximate=False) * scale
    return delta

if __name__ == "__main__":
    import jax
    _d = setup_inputs()
    print(jax.jit(kernel)(*tuple(_d.values())))

</pallas_src>

<mosaic_0001>
#map = affine_map<(d0, d1) -> (0, 0)>
#map1 = affine_map<(d0, d1) -> (0)>
module attributes {stable_mosaic.version = 14 : i64} {
  func.func @_sc_agg(%arg0: i32, %arg1: i32, %arg2: memref<4096x2048xf32, #tpu.memory_space<hbm>>, %arg3: memref<65536xi32, #tpu.memory_space<hbm>>, %arg4: memref<65536x16xf32, #tpu.memory_space<hbm>>, %arg5: memref<4096x2048xf32, #tpu.memory_space<hbm>>, %arg6: memref<32xi32, #tpu.memory_space<vmem>>, %arg7: memref<32x2048xf32, #tpu.memory_space<vmem>>, %arg8: memref<32x16xf32, #tpu.memory_space<vmem>>, %arg9: memref<2x2048xf32, #tpu.memory_space<vmem>>, %arg10: memref<!tpu.dma_semaphore, #tpu.memory_space<semaphore_mem>>) attributes {dimension_semantics = [#tpu.dimension_semantics<core_parallel>, #tpu.dimension_semantics<subcore_parallel>], iteration_bounds = array<i64: 2, 16>, scalar_prefetch = 0 : i64, scratch_operands = 5 : i64, tpu.core_type = #tpu.core_type<sc_vector_subcore>, window_params = [{transform_indices = #map}, {transform_indices = #map1}, {transform_indices = #map}, {transform_indices = #map}]} {
    %mul3A = arith.constant 2 : i32
    %mul3A_0 = arith.muli %arg1, %mul3A : i32
    %add3A = arith.addi %mul3A_0, %arg0 : i32
    %mul3A_1 = arith.constant 128 : i32
    %mul3A_2 = arith.muli %add3A, %mul3A_1 : i32
    %scan3A = arith.constant 0 : i32
    %scan3A_3 = arith.constant 0 : i32
    %scan3A_4 = arith.constant 64 : i32
    %scan3A_5 = arith.addi %scan3A_3, %scan3A_4 : i32
    %scan3A_6 = arith.constant 1 : i32
    scf.for %scan3A_8 = %scan3A_3 to %scan3A_5 step %scan3A_6  : i32 {
      %mul3A_9 = arith.constant 2 : i32
      %mul3A_10 = arith.muli %scan3A_8, %mul3A_9 : i32
      %add3A_11 = arith.addi %mul3A_2, %mul3A_10 : i32
      %mul3A_12 = arith.constant 16 : i32
      %mul3A_13 = arith.muli %add3A_11, %mul3A_12 : i32
      "tpu.region"() ({
        %run_scoped3A = tpu.sem_alloc : memref<!tpu.dma_semaphore, #tpu.memory_space<semaphore_mem>>
        %dma_start3A_191 = tpu.memref_slice %arg3[%mul3A_13] : memref<65536xi32, #tpu.memory_space<hbm>> -> memref<32xi32, #tpu.memory_space<hbm>>
        %dma_start3A_192 = tpu.memref_slice %arg3[%mul3A_13] : memref<65536xi32, #tpu.memory_space<hbm>> -> memref<32xi32, #tpu.memory_space<hbm>>
        tpu.enqueue_dma source(%dma_start3A_192 : memref<32xi32, #tpu.memory_space<hbm>>) target(%arg6 : memref<32xi32, #tpu.memory_space<vmem>>) target_semaphore(%run_scoped3A : memref<!tpu.dma_semaphore, #tpu.memory_space<semaphore_mem>>)
        %dma_wait3A_193 = tpu.memref_slice %arg3[%mul3A_13] : memref<65536xi32, #tpu.memory_space<hbm>> -> memref<32xi32, #tpu.memory_space<hbm>>
        %dma_wait3A_194 = tpu.memref_slice %arg3[%mul3A_13] : memref<65536xi32, #tpu.memory_space<hbm>> -> memref<32xi32, #tpu.memory_space<hbm>>
        tpu.wait_dma2 semaphore(%run_scoped3A : memref<!tpu.dma_semaphore, #tpu.memory_space<semaphore_mem>>) src(%dma_wait3A_194 : memref<32xi32, #tpu.memory_space<hbm>>) dst(%arg6 : memref<32xi32, #tpu.memory_space<vmem>>)
        tpu.yield
      }) : () -> ()
      %mul3A_14 = arith.constant 16 : i32
      %mul3A_15 = arith.muli %add3A_11, %mul3A_14 : i32
      "tpu.region"() ({
        %run_scoped3A = tpu.sem_alloc : memref<!tpu.dma_semaphore, #tpu.memory_space<semaphore_mem>>
        %dma_start3A_191 = arith.constant 0 : i32
        %dma_start3A_192 = tpu.memref_slice %arg4[%mul3A_15, %dma_start3A_191] : memref<65536x16xf32, #tpu.memory_space<hbm>> -> memref<32x16xf32, #tpu.memory_space<hbm>>
        %dma_start3A_193 = arith.constant 0 : i32
        %dma_start3A_194 = tpu.memref_slice %arg4[%mul3A_15, %dma_start3A_193] : memref<65536x16xf32, #tpu.memory_space<hbm>> -> memref<32x16xf32, #tpu.memory_space<hbm>>
        tpu.enqueue_dma source(%dma_start3A_194 : memref<32x16xf32, #tpu.memory_space<hbm>>) target(%arg8 : memref<32x16xf32, #tpu.memory_space<vmem>>) target_semaphore(%run_scoped3A : memref<!tpu.dma_semaphore, #tpu.memory_space<semaphore_mem>>)
        %dma_wait3A_195 = arith.constant 0 : i32
        %dma_wait3A_196 = tpu.memref_slice %arg4[%mul3A_15, %dma_wait3A_195] : memref<65536x16xf32, #tpu.memory_space<hbm>> -> memref<32x16xf32, #tpu.memory_space<hbm>>
        %dma_wait3A_197 = arith.constant 0 : i32
        %dma_wait3A_198 = tpu.memref_slice %arg4[%mul3A_15, %dma_wait3A_197] : memref<65536x16xf32, #tpu.memory_space<hbm>> -> memref<32x16xf32, #tpu.memory_space<hbm>>
        tpu.wait_dma2 semaphore(%run_scoped3A : memref<!tpu.dma_semaphore, #tpu.memory_space<semaphore_mem>>) src(%dma_wait3A_198 : memref<32x16xf32, #tpu.memory_space<hbm>>) dst(%arg8 : memref<32x16xf32, #tpu.memory_space<vmem>>)
        tpu.yield
      }) : () -> ()
      %dma_start3A = arith.constant 0 : i32
      %dma_start3A_16 = arith.constant 0 : i32
      %dma_start3A_17 = tpu.memref_slice %arg2[%dma_start3A, %dma_start3A_16] : memref<4096x2048xf32, #tpu.memory_space<hbm>> -> memref<4096x2048xf32, #tpu.memory_space<hbm>>
      tpu.enqueue_indirect_dma source(%dma_start3A_17 : memref<4096x2048xf32, #tpu.memory_space<hbm>>) target(%arg7 : memref<32x2048xf32, #tpu.memory_space<vmem>>) offsets(%arg6 : memref<32xi32, #tpu.memory_space<vmem>>) semaphore(%arg10 : memref<!tpu.dma_semaphore, #tpu.memory_space<semaphore_mem>>)
      %dma_wait3A = arith.constant 0 : i32
      %dma_wait3A_18 = arith.constant 0 : i32
      %dma_wait3A_19 = tpu.memref_slice %arg2[%dma_wait3A, %dma_wait3A_18] : memref<4096x2048xf32, #tpu.memory_space<hbm>> -> memref<4096x2048xf32, #tpu.memory_space<hbm>>
      tpu.wait_indirect_dma semaphore(%arg10 : memref<!tpu.dma_semaphore, #tpu.memory_space<semaphore_mem>>) src(%dma_wait3A_19 : memref<4096x2048xf32, #tpu.memory_space<hbm>>) dst(%arg7 : memref<32x2048xf32, #tpu.memory_space<vmem>>)
      %get3A = arith.constant 0 : i32
      %get3A_20 = arith.index_cast %get3A : i32 to index
      %get3A_21 = arith.constant 0 : index
      %get3A_22 = tpu.vector_load %arg8[%get3A_20, %get3A_21] {strides = array<i32>} : memref<32x16xf32, #tpu.memory_space<vmem>>, vector<1x16xf32>,
      %get3A_23 = vector.shape_cast %get3A_22 : vector<1x16xf32> to vector<16xf32>
      %get3A_24 = arith.constant 1 : i32
      %get3A_25 = arith.index_cast %get3A_24 : i32 to index
      %get3A_26 = arith.constant 0 : index
      %get3A_27 = tpu.vector_load %arg8[%get3A_25, %get3A_26] {strides = array<i32>} : memref<32x16xf32, #tpu.memory_space<vmem>>, vector<1x16xf32>,
      %get3A_28 = vector.shape_cast %get3A_27 : vector<1x16xf32> to vector<16xf32>
      %get3A_29 = arith.constant 2 : i32
      %get3A_30 = arith.index_cast %get3A_29 : i32 to index
      %get3A_31 = arith.constant 0 : index
      %get3A_32 = tpu.vector_load %arg8[%get3A_30, %get3A_31] {strides = array<i32>} : memref<32x16xf32, #tpu.memory_space<vmem>>, vector<1x16xf32>,
      %get3A_33 = vector.shape_cast %get3A_32 : vector<1x16xf32> to vector<16xf32>
      %get3A_34 = arith.constant 3 : i32
      %get3A_35 = arith.index_cast %get3A_34 : i32 to index
      %get3A_36 = arith.constant 0 : index
      %get3A_37 = tpu.vector_load %arg8[%get3A_35, %get3A_36] {strides = array<i32>} : memref<32x16xf32, #tpu.memory_space<vmem>>, vector<1x16xf32>,
      %get3A_38 = vector.shape_cast %get3A_37 : vector<1x16xf32> to vector<16xf32>
      %get3A_39 = arith.constant 4 : i32
      %get3A_40 = arith.index_cast %get3A_39 : i32 to index
      %get3A_41 = arith.constant 0 : index
      %get3A_42 = tpu.vector_load %arg8[%get3A_40, %get3A_41] {strides = array<i32>} : memref<32x16xf32, #tpu.memory_space<vmem>>, vector<1x16xf32>,
      %get3A_43 = vector.shape_cast %get3A_42 : vector<1x16xf32> to vector<16xf32>
      %get3A_44 = arith.constant 5 : i32
      %get3A_45 = arith.index_cast %get3A_44 : i32 to index
      %get3A_46 = arith.constant 0 : index
      %get3A_47 = tpu.vector_load %arg8[%get3A_45, %get3A_46] {strides = array<i32>} : memref<32x16xf32, #tpu.memory_space<vmem>>, vector<1x16xf32>,
      %get3A_48 = vector.shape_cast %get3A_47 : vector<1x16xf32> to vector<16xf32>
      %get3A_49 = arith.constant 6 : i32
      %get3A_50 = arith.index_cast %get3A_49 : i32 to index
      %get3A_51 = arith.constant 0 : index
      %get3A_52 = tpu.vector_load %arg8[%get3A_50, %get3A_51] {strides = array<i32>} : memref<32x16xf32, #tpu.memory_space<vmem>>, vector<1x16xf32>,
      %get3A_53 = vector.shape_cast %get3A_52 : vector<1x16xf32> to vector<16xf32>
      %get3A_54 = arith.constant 7 : i32
      %get3A_55 = arith.index_cast %get3A_54 : i32 to index
      %get3A_56 = arith.constant 0 : index
      %get3A_57 = tpu.vector_load %arg8[%get3A_55, %get3A_56] {strides = array<i32>} : memref<32x16xf32, #tpu.memory_space<vmem>>, vector<1x16xf32>,
      %get3A_58 = vector.shape_cast %get3A_57 : vector<1x16xf32> to vector<16xf32>
      %get3A_59 = arith.constant 8 : i32
      %get3A_60 = arith.index_cast %get3A_59 : i32 to index
      %get3A_61 = arith.constant 0 : index
      %get3A_62 = tpu.vector_load %arg8[%get3A_60, %get3A_61] {strides = array<i32>} : memref<32x16xf32, #tpu.memory_space<vmem>>, vector<1x16xf32>,
      %get3A_63 = vector.shape_cast %get3A_62 : vector<1x16xf32> to vector<16xf32>
      %get3A_64 = arith.constant 9 : i32
      %get3A_65 = arith.index_cast %get3A_64 : i32 to index
      %get3A_66 = arith.constant 0 : index
      %get3A_67 = tpu.vector_load %arg8[%get3A_65, %get3A_66] {strides = array<i32>} : memref<32x16xf32, #tpu.memory_space<vmem>>, vector<1x16xf32>,
      %get3A_68 = vector.shape_cast %get3A_67 : vector<1x16xf32> to vector<16xf32>
      %get3A_69 = arith.constant 10 : i32
      %get3A_70 = arith.index_cast %get3A_69 : i32 to index
      %get3A_71 = arith.constant 0 : index
      %get3A_72 = tpu.vector_load %arg8[%get3A_70, %get3A_71] {strides = array<i32>} : memref<32x16xf32, #tpu.memory_space<vmem>>, vector<1x16xf32>,
      %get3A_73 = vector.shape_cast %get3A_72 : vector<1x16xf32> to vector<16xf32>
      %get3A_74 = arith.constant 11 : i32
      %get3A_75 = arith.index_cast %get3A_74 : i32 to index
      %get3A_76 = arith.constant 0 : index
      %get3A_77 = tpu.vector_load %arg8[%get3A_75, %get3A_76] {strides = array<i32>} : memref<32x16xf32, #tpu.memory_space<vmem>>, vector<1x16xf32>,
      %get3A_78 = vector.shape_cast %get3A_77 : vector<1x16xf32> to vector<16xf32>
      %get3A_79 = arith.constant 12 : i32
      %get3A_80 = arith.index_cast %get3A_79 : i32 to index
      %get3A_81 = arith.constant 0 : index
      %get3A_82 = tpu.vector_load %arg8[%get3A_80, %get3A_81] {strides = array<i32>} : memref<32x16xf32, #tpu.memory_space<vmem>>, vector<1x16xf32>,
      %get3A_83 = vector.shape_cast %get3A_82 : vector<1x16xf32> to vector<16xf32>
      %get3A_84 = arith.constant 13 : i32
      %get3A_85 = arith.index_cast %get3A_84 : i32 to index
      %get3A_86 = arith.constant 0 : index
      %get3A_87 = tpu.vector_load %arg8[%get3A_85, %get3A_86] {strides = array<i32>} : memref<32x16xf32, #tpu.memory_space<vmem>>, vector<1x16xf32>,
      %get3A_88 = vector.shape_cast %get3A_87 : vector<1x16xf32> to vector<16xf32>
      %get3A_89 = arith.constant 14 : i32
      %get3A_90 = arith.index_cast %get3A_89 : i32 to index
      %get3A_91 = arith.constant 0 : index
      %get3A_92 = tpu.vector_load %arg8[%get3A_90, %get3A_91] {strides = array<i32>} : memref<32x16xf32, #tpu.memory_space<vmem>>, vector<1x16xf32>,
      %get3A_93 = vector.shape_cast %get3A_92 : vector<1x16xf32> to vector<16xf32>
      %get3A_94 = arith.constant 15 : i32
      %get3A_95 = arith.index_cast %get3A_94 : i32 to index
      %get3A_96 = arith.constant 0 : index
      %get3A_97 = tpu.vector_load %arg8[%get3A_95, %get3A_96] {strides = array<i32>} : memref<32x16xf32, #tpu.memory_space<vmem>>, vector<1x16xf32>,
      %get3A_98 = vector.shape_cast %get3A_97 : vector<1x16xf32> to vector<16xf32>
      %scan3A_99 = arith.constant 0 : i32
      %scan3A_100 = arith.constant 0 : i32
      %scan3A_101 = arith.constant 128 : i32
      %scan3A_102 = arith.addi %scan3A_100, %scan3A_101 : i32
      %scan3A_103 = arith.constant 1 : i32
      scf.for %scan3A_191 = %scan3A_100 to %scan3A_102 step %scan3A_103  : i32 {
        %mul3A_192 = arith.constant 16 : i32
        %mul3A_193 = arith.muli %scan3A_191, %mul3A_192 : i32
        %get3A_194 = arith.constant 0 : i32
        %get3A_195 = arith.index_cast %get3A_194 : i32 to index
        %get3A_196 = arith.index_cast %mul3A_193 : i32 to index
        %get3A_197 = tpu.vector_load %arg7[%get3A_195, %get3A_196] {strides = array<i32>} : memref<32x2048xf32, #tpu.memory_space<vmem>>, vector<1x16xf32>,
        %get3A_198 = vector.shape_cast %get3A_197 : vector<1x16xf32> to vector<16xf32>
        %mul3A_199 = arith.mulf %get3A_198, %get3A_23 : vector<16xf32>
        %get3A_200 = arith.constant 1 : i32
        %get3A_201 = arith.index_cast %get3A_200 : i32 to index
        %get3A_202 = arith.index_cast %mul3A_193 : i32 to index
        %get3A_203 = tpu.vector_load %arg7[%get3A_201, %get3A_202] {strides = array<i32>} : memref<32x2048xf32, #tpu.memory_space<vmem>>, vector<1x16xf32>,
        %get3A_204 = vector.shape_cast %get3A_203 : vector<1x16xf32> to vector<16xf32>
        %mul3A_205 = arith.mulf %get3A_204, %get3A_28 : vector<16xf32>
        %add3A_206 = arith.addf %mul3A_199, %mul3A_205 : vector<16xf32>
        %get3A_207 = arith.constant 2 : i32
        %get3A_208 = arith.index_cast %get3A_207 : i32 to index
        %get3A_209 = arith.index_cast %mul3A_193 : i32 to index
        %get3A_210 = tpu.vector_load %arg7[%get3A_208, %get3A_209] {strides = array<i32>} : memref<32x2048xf32, #tpu.memory_space<vmem>>, vector<1x16xf32>,
        %get3A_211 = vector.shape_cast %get3A_210 : vector<1x16xf32> to vector<16xf32>
        %mul3A_212 = arith.mulf %get3A_211, %get3A_33 : vector<16xf32>
        %add3A_213 = arith.addf %add3A_206, %mul3A_212 : vector<16xf32>
        %get3A_214 = arith.constant 3 : i32
        %get3A_215 = arith.index_cast %get3A_214 : i32 to index
        %get3A_216 = arith.index_cast %mul3A_193 : i32 to index
        %get3A_217 = tpu.vector_load %arg7[%get3A_215, %get3A_216] {strides = array<i32>} : memref<32x2048xf32, #tpu.memory_space<vmem>>, vector<1x16xf32>,
        %get3A_218 = vector.shape_cast %get3A_217 : vector<1x16xf32> to vector<16xf32>
        %mul3A_219 = arith.mulf %get3A_218, %get3A_38 : vector<16xf32>
        %add3A_220 = arith.addf %add3A_213, %mul3A_219 : vector<16xf32>
        %get3A_221 = arith.constant 4 : i32
        %get3A_222 = arith.index_cast %get3A_221 : i32 to index
        %get3A_223 = arith.index_cast %mul3A_193 : i32 to index
        %get3A_224 = tpu.vector_load %arg7[%get3A_222, %get3A_223] {strides = array<i32>} : memref<32x2048xf32, #tpu.memory_space<vmem>>, vector<1x16xf32>,
        %get3A_225 = vector.shape_cast %get3A_224 : vector<1x16xf32> to vector<16xf32>
        %mul3A_226 = arith.mulf %get3A_225, %get3A_43 : vector<16xf32>
        %add3A_227 = arith.addf %add3A_220, %mul3A_226 : vector<16xf32>
        %get3A_228 = arith.constant 5 : i32
        %get3A_229 = arith.index_cast %get3A_228 : i32 to index
        %get3A_230 = arith.index_cast %mul3A_193 : i32 to index
        %get3A_231 = tpu.vector_load %arg7[%get3A_229, %get3A_230] {strides = array<i32>} : memref<32x2048xf32, #tpu.memory_space<vmem>>, vector<1x16xf32>,
        %get3A_232 = vector.shape_cast %get3A_231 : vector<1x16xf32> to vector<16xf32>
        %mul3A_233 = arith.mulf %get3A_232, %get3A_48 : vector<16xf32>
        %add3A_234 = arith.addf %add3A_227, %mul3A_233 : vector<16xf32>
        %get3A_235 = arith.constant 6 : i32
        %get3A_236 = arith.index_cast %get3A_235 : i32 to index
        %get3A_237 = arith.index_cast %mul3A_193 : i32 to index
        %get3A_238 = tpu.vector_load %arg7[%get3A_236, %get3A_237] {strides = array<i32>} : memref<32x2048xf32, #tpu.memory_space<vmem>>, vector<1x16xf32>,
        %get3A_239 = vector.shape_cast %get3A_238 : vector<1x16xf32> to vector<16xf32>
        %mul3A_240 = arith.mulf %get3A_239, %get3A_53 : vector<16xf32>
        %add3A_241 = arith.addf %add3A_234, %mul3A_240 : vector<16xf32>
        %get3A_242 = arith.constant 7 : i32
        %get3A_243 = arith.index_cast %get3A_242 : i32 to index
        %get3A_244 = arith.index_cast %mul3A_193 : i32 to index
        %get3A_245 = tpu.vector_load %arg7[%get3A_243, %get3A_244] {strides = array<i32>} : memref<32x2048xf32, #tpu.memory_space<vmem>>, vector<1x16xf32>,
        %get3A_246 = vector.shape_cast %get3A_245 : vector<1x16xf32> to vector<16xf32>
        %mul3A_247 = arith.mulf %get3A_246, %get3A_58 : vector<16xf32>
        %add3A_248 = arith.addf %add3A_241, %mul3A_247 : vector<16xf32>
        %get3A_249 = arith.constant 8 : i32
        %get3A_250 = arith.index_cast %get3A_249 : i32 to index
        %get3A_251 = arith.index_cast %mul3A_193 : i32 to index
        %get3A_252 = tpu.vector_load %arg7[%get3A_250, %get3A_251] {strides = array<i32>} : memref<32x2048xf32, #tpu.memory_space<vmem>>, vector<1x16xf32>,
        %get3A_253 = vector.shape_cast %get3A_252 : vector<1x16xf32> to vector<16xf32>
        %mul3A_254 = arith.mulf %get3A_253, %get3A_63 : vector<16xf32>
        %add3A_255 = arith.addf %add3A_248, %mul3A_254 : vector<16xf32>
        %get3A_256 = arith.constant 9 : i32
        %get3A_257 = arith.index_cast %get3A_256 : i32 to index
        %get3A_258 = arith.index_cast %mul3A_193 : i32 to index
        %get3A_259 = tpu.vector_load %arg7[%get3A_257, %get3A_258] {strides = array<i32>} : memref<32x2048xf32, #tpu.memory_space<vmem>>, vector<1x16xf32>,
        %get3A_260 = vector.shape_cast %get3A_259 : vector<1x16xf32> to vector<16xf32>
        %mul3A_261 = arith.mulf %get3A_260, %get3A_68 : vector<16xf32>
        %add3A_262 = arith.addf %add3A_255, %mul3A_261 : vector<16xf32>
        %get3A_263 = arith.constant 10 : i32
        %get3A_264 = arith.index_cast %get3A_263 : i32 to index
        %get3A_265 = arith.index_cast %mul3A_193 : i32 to index
        %get3A_266 = tpu.vector_load %arg7[%get3A_264, %get3A_265] {strides = array<i32>} : memref<32x2048xf32, #tpu.memory_space<vmem>>, vector<1x16xf32>,
        %get3A_267 = vector.shape_cast %get3A_266 : vector<1x16xf32> to vector<16xf32>
        %mul3A_268 = arith.mulf %get3A_267, %get3A_73 : vector<16xf32>
        %add3A_269 = arith.addf %add3A_262, %mul3A_268 : vector<16xf32>
        %get3A_270 = arith.constant 11 : i32
        %get3A_271 = arith.index_cast %get3A_270 : i32 to index
        %get3A_272 = arith.index_cast %mul3A_193 : i32 to index
        %get3A_273 = tpu.vector_load %arg7[%get3A_271, %get3A_272] {strides = array<i32>} : memref<32x2048xf32, #tpu.memory_space<vmem>>, vector<1x16xf32>,
        %get3A_274 = vector.shape_cast %get3A_273 : vector<1x16xf32> to vector<16xf32>
        %mul3A_275 = arith.mulf %get3A_274, %get3A_78 : vector<16xf32>
        %add3A_276 = arith.addf %add3A_269, %mul3A_275 : vector<16xf32>
        %get3A_277 = arith.constant 12 : i32
        %get3A_278 = arith.index_cast %get3A_277 : i32 to index
        %get3A_279 = arith.index_cast %mul3A_193 : i32 to index
        %get3A_280 = tpu.vector_load %arg7[%get3A_278, %get3A_279] {strides = array<i32>} : memref<32x2048xf32, #tpu.memory_space<vmem>>, vector<1x16xf32>,
        %get3A_281 = vector.shape_cast %get3A_280 : vector<1x16xf32> to vector<16xf32>
        %mul3A_282 = arith.mulf %get3A_281, %get3A_83 : vector<16xf32>
        %add3A_283 = arith.addf %add3A_276, %mul3A_282 : vector<16xf32>
        %get3A_284 = arith.constant 13 : i32
        %get3A_285 = arith.index_cast %get3A_284 : i32 to index
        %get3A_286 = arith.index_cast %mul3A_193 : i32 to index
        %get3A_287 = tpu.vector_load %arg7[%get3A_285, %get3A_286] {strides = array<i32>} : memref<32x2048xf32, #tpu.memory_space<vmem>>, vector<1x16xf32>,
        %get3A_288 = vector.shape_cast %get3A_287 : vector<1x16xf32> to vector<16xf32>
        %mul3A_289 = arith.mulf %get3A_288, %get3A_88 : vector<16xf32>
        %add3A_290 = arith.addf %add3A_283, %mul3A_289 : vector<16xf32>
        %get3A_291 = arith.constant 14 : i32
        %get3A_292 = arith.index_cast %get3A_291 : i32 to index
        %get3A_293 = arith.index_cast %mul3A_193 : i32 to index
        %get3A_294 = tpu.vector_load %arg7[%get3A_292, %get3A_293] {strides = array<i32>} : memref<32x2048xf32, #tpu.memory_space<vmem>>, vector<1x16xf32>,
        %get3A_295 = vector.shape_cast %get3A_294 : vector<1x16xf32> to vector<16xf32>
        %mul3A_296 = arith.mulf %get3A_295, %get3A_93 : vector<16xf32>
        %add3A_297 = arith.addf %add3A_290, %mul3A_296 : vector<16xf32>
        %get3A_298 = arith.constant 15 : i32
        %get3A_299 = arith.index_cast %get3A_298 : i32 to index
        %get3A_300 = arith.index_cast %mul3A_193 : i32 to index
        %get3A_301 = tpu.vector_load %arg7[%get3A_299, %get3A_300] {strides = array<i32>} : memref<32x2048xf32, #tpu.memory_space<vmem>>, vector<1x16xf32>,
        %get3A_302 = vector.shape_cast %get3A_301 : vector<1x16xf32> to vector<16xf32>
        %mul3A_303 = arith.mulf %get3A_302, %get3A_98 : vector<16xf32>
        %add3A_304 = arith.addf %add3A_297, %mul3A_303 : vector<16xf32>
        %swap3A = arith.constant 0 : i32
        %swap3A_305 = arith.index_cast %swap3A : i32 to index
        %swap3A_306 = arith.index_cast %mul3A_193 : i32 to index
        %swap3A_307 = tpu.vector_load %arg9[%swap3A_305, %swap3A_306] {strides = array<i32>} : memref<2x2048xf32, #tpu.memory_space<vmem>>, vector<1x16xf32>,
        %swap3A_308 = vector.shape_cast %swap3A_307 : vector<1x16xf32> to vector<16xf32>
        %swap3A_309 = vector.shape_cast %add3A_304 : vector<16xf32> to vector<1x16xf32>
        tpu.vector_store %arg9[%swap3A_305, %swap3A_306], %swap3A_309 {strides = array<i32>} : memref<2x2048xf32, #tpu.memory_space<vmem>>, vector<1x16xf32>,
      }
      %scan3A_104 = arith.constant 128 : i32
      %get3A_105 = arith.constant 16 : i32
      %get3A_106 = arith.index_cast %get3A_105 : i32 to index
      %get3A_107 = arith.constant 0 : index
      %get3A_108 = tpu.vector_load %arg8[%get3A_106, %get3A_107] {strides = array<i32>} : memref<32x16xf32, #tpu.memory_space<vmem>>, vector<1x16xf32>,
      %get3A_109 = vector.shape_cast %get3A_108 : vector<1x16xf32> to vector<16xf32>
      %get3A_110 = arith.constant 17 : i32
      %get3A_111 = arith.index_cast %get3A_110 : i32 to index
      %get3A_112 = arith.constant 0 : index
      %get3A_113 = tpu.vector_load %arg8[%get3A_111, %get3A_112] {strides = array<i32>} : memref<32x16xf32, #tpu.memory_space<vmem>>, vector<1x16xf32>,
      %get3A_114 = vector.shape_cast %get3A_113 : vector<1x16xf32> to vector<16xf32>
      %get3A_115 = arith.constant 18 : i32
      %get3A_116 = arith.index_cast %get3A_115 : i32 to index
      %get3A_117 = arith.constant 0 : index
      %get3A_118 = tpu.vector_load %arg8[%get3A_116, %get3A_117] {strides = array<i32>} : memref<32x16xf32, #tpu.memory_space<vmem>>, vector<1x16xf32>,
      %get3A_119 = vector.shape_cast %get3A_118 : vector<1x16xf32> to vector<16xf32>
      %get3A_120 = arith.constant 19 : i32
      %get3A_121 = arith.index_cast %get3A_120 : i32 to index
      %get3A_122 = arith.constant 0 : index
      %get3A_123 = tpu.vector_load %arg8[%get3A_121, %get3A_122] {strides = array<i32>} : memref<32x16xf32, #tpu.memory_space<vmem>>, vector<1x16xf32>,
      %get3A_124 = vector.shape_cast %get3A_123 : vector<1x16xf32> to vector<16xf32>
      %get3A_125 = arith.constant 20 : i32
      %get3A_126 = arith.index_cast %get3A_125 : i32 to index
      %get3A_127 = arith.constant 0 : index
      %get3A_128 = tpu.vector_load %arg8[%get3A_126, %get3A_127] {strides = array<i32>} : memref<32x16xf32, #tpu.memory_space<vmem>>, vector<1x16xf32>,
      %get3A_129 = vector.shape_cast %get3A_128 : vector<1x16xf32> to vector<16xf32>
      %get3A_130 = arith.constant 21 : i32
      %get3A_131 = arith.index_cast %get3A_130 : i32 to index
      %get3A_132 = arith.constant 0 : index
      %get3A_133 = tpu.vector_load %arg8[%get3A_131, %get3A_132] {strides = array<i32>} : memref<32x16xf32, #tpu.memory_space<vmem>>, vector<1x16xf32>,
      %get3A_134 = vector.shape_cast %get3A_133 : vector<1x16xf32> to vector<16xf32>
      %get3A_135 = arith.constant 22 : i32
      %get3A_136 = arith.index_cast %get3A_135 : i32 to index
      %get3A_137 = arith.constant 0 : index
      %get3A_138 = tpu.vector_load %arg8[%get3A_136, %get3A_137] {strides = array<i32>} : memref<32x16xf32, #tpu.memory_space<vmem>>, vector<1x16xf32>,
      %get3A_139 = vector.shape_cast %get3A_138 : vector<1x16xf32> to vector<16xf32>
      %get3A_140 = arith.constant 23 : i32
      %get3A_141 = arith.index_cast %get3A_140 : i32 to index
      %get3A_142 = arith.constant 0 : index
      %get3A_143 = tpu.vector_load %arg8[%get3A_141, %get3A_142] {strides = array<i32>} : memref<32x16xf32, #tpu.memory_space<vmem>>, vector<1x16xf32>,
      %get3A_144 = vector.shape_cast %get3A_143 : vector<1x16xf32> to vector<16xf32>
      %get3A_145 = arith.constant 24 : i32
      %get3A_146 = arith.index_cast %get3A_145 : i32 to index
      %get3A_147 = arith.constant 0 : index
      %get3A_148 = tpu.vector_load %arg8[%get3A_146, %get3A_147] {strides = array<i32>} : memref<32x16xf32, #tpu.memory_space<vmem>>, vector<1x16xf32>,
      %get3A_149 = vector.shape_cast %get3A_148 : vector<1x16xf32> to vector<16xf32>
      %get3A_150 = arith.constant 25 : i32
      %get3A_151 = arith.index_cast %get3A_150 : i32 to index
      %get3A_152 = arith.constant 0 : index
      %get3A_153 = tpu.vector_load %arg8[%get3A_151, %get3A_152] {strides = array<i32>} : memref<32x16xf32, #tpu.memory_space<vmem>>, vector<1x16xf32>,
      %get3A_154 = vector.shape_cast %get3A_153 : vector<1x16xf32> to vector<16xf32>
      %get3A_155 = arith.constant 26 : i32
      %get3A_156 = arith.index_cast %get3A_155 : i32 to index
      %get3A_157 = arith.constant 0 : index
      %get3A_158 = tpu.vector_load %arg8[%get3A_156, %get3A_157] {strides = array<i32>} : memref<32x16xf32, #tpu.memory_space<vmem>>, vector<1x16xf32>,
      %get3A_159 = vector.shape_cast %get3A_158 : vector<1x16xf32> to vector<16xf32>
      %get3A_160 = arith.constant 27 : i32
      %get3A_161 = arith.index_cast %get3A_160 : i32 to index
      %get3A_162 = arith.constant 0 : index
      %get3A_163 = tpu.vector_load %arg8[%get3A_161, %get3A_162] {strides = array<i32>} : memref<32x16xf32, #tpu.memory_space<vmem>>, vector<1x16xf32>,
      %get3A_164 = vector.shape_cast %get3A_163 : vector<1x16xf32> to vector<16xf32>
      %get3A_165 = arith.constant 28 : i32
      %get3A_166 = arith.index_cast %get3A_165 : i32 to index
      %get3A_167 = arith.constant 0 : index
      %get3A_168 = tpu.vector_load %arg8[%get3A_166, %get3A_167] {strides = array<i32>} : memref<32x16xf32, #tpu.memory_space<vmem>>, vector<1x16xf32>,
      %get3A_169 = vector.shape_cast %get3A_168 : vector<1x16xf32> to vector<16xf32>
      %get3A_170 = arith.constant 29 : i32
      %get3A_171 = arith.index_cast %get3A_170 : i32 to index
      %get3A_172 = arith.constant 0 : index
      %get3A_173 = tpu.vector_load %arg8[%get3A_171, %get3A_172] {strides = array<i32>} : memref<32x16xf32, #tpu.memory_space<vmem>>, vector<1x16xf32>,
      %get3A_174 = vector.shape_cast %get3A_173 : vector<1x16xf32> to vector<16xf32>
      %get3A_175 = arith.constant 30 : i32
      %get3A_176 = arith.index_cast %get3A_175 : i32 to index
      %get3A_177 = arith.constant 0 : index
      %get3A_178 = tpu.vector_load %arg8[%get3A_176, %get3A_177] {strides = array<i32>} : memref<32x16xf32, #tpu.memory_space<vmem>>, vector<1x16xf32>,
      %get3A_179 = vector.shape_cast %get3A_178 : vector<1x16xf32> to vector<16xf32>
      %get3A_180 = arith.constant 31 : i32
      %get3A_181 = arith.index_cast %get3A_180 : i32 to index
      %get3A_182 = arith.constant 0 : index
      %get3A_183 = tpu.vector_load %arg8[%get3A_181, %get3A_182] {strides = array<i32>} : memref<32x16xf32, #tpu.memory_space<vmem>>, vector<1x16xf32>,
      %get3A_184 = vector.shape_cast %get3A_183 : vector<1x16xf32> to vector<16xf32>
      %scan3A_185 = arith.constant 0 : i32
      %scan3A_186 = arith.constant 0 : i32
      %scan3A_187 = arith.constant 128 : i32
      %scan3A_188 = arith.addi %scan3A_186, %scan3A_187 : i32
      %scan3A_189 = arith.constant 1 : i32
      scf.for %scan3A_191 = %scan3A_186 to %scan3A_188 step %scan3A_189  : i32 {
        %mul3A_192 = arith.constant 16 : i32
        %mul3A_193 = arith.muli %scan3A_191, %mul3A_192 : i32
        %get3A_194 = arith.constant 16 : i32
        %get3A_195 = arith.index_cast %get3A_194 : i32 to index
        %get3A_196 = arith.index_cast %mul3A_193 : i32 to index
        %get3A_197 = tpu.vector_load %arg7[%get3A_195, %get3A_196] {strides = array<i32>} : memref<32x2048xf32, #tpu.memory_space<vmem>>, vector<1x16xf32>,
        %get3A_198 = vector.shape_cast %get3A_197 : vector<1x16xf32> to vector<16xf32>
        %mul3A_199 = arith.mulf %get3A_198, %get3A_109 : vector<16xf32>
        %get3A_200 = arith.constant 17 : i32
        %get3A_201 = arith.index_cast %get3A_200 : i32 to index
        %get3A_202 = arith.index_cast %mul3A_193 : i32 to index
        %get3A_203 = tpu.vector_load %arg7[%get3A_201, %get3A_202] {strides = array<i32>} : memref<32x2048xf32, #tpu.memory_space<vmem>>, vector<1x16xf32>,
        %get3A_204 = vector.shape_cast %get3A_203 : vector<1x16xf32> to vector<16xf32>
        %mul3A_205 = arith.mulf %get3A_204, %get3A_114 : vector<16xf32>
        %add3A_206 = arith.addf %mul3A_199, %mul3A_205 : vector<16xf32>
        %get3A_207 = arith.constant 18 : i32
        %get3A_208 = arith.index_cast %get3A_207 : i32 to index
        %get3A_209 = arith.index_cast %mul3A_193 : i32 to index
        %get3A_210 = tpu.vector_load %arg7[%get3A_208, %get3A_209] {strides = array<i32>} : memref<32x2048xf32, #tpu.memory_space<vmem>>, vector<1x16xf32>,
        %get3A_211 = vector.shape_cast %get3A_210 : vector<1x16xf32> to vector<16xf32>
        %mul3A_212 = arith.mulf %get3A_211, %get3A_119 : vector<16xf32>
        %add3A_213 = arith.addf %add3A_206, %mul3A_212 : vector<16xf32>
        %get3A_214 = arith.constant 19 : i32
        %get3A_215 = arith.index_cast %get3A_214 : i32 to index
        %get3A_216 = arith.index_cast %mul3A_193 : i32 to index
        %get3A_217 = tpu.vector_load %arg7[%get3A_215, %get3A_216] {strides = array<i32>} : memref<32x2048xf32, #tpu.memory_space<vmem>>, vector<1x16xf32>,
        %get3A_218 = vector.shape_cast %get3A_217 : vector<1x16xf32> to vector<16xf32>
        %mul3A_219 = arith.mulf %get3A_218, %get3A_124 : vector<16xf32>
        %add3A_220 = arith.addf %add3A_213, %mul3A_219 : vector<16xf32>
        %get3A_221 = arith.constant 20 : i32
        %get3A_222 = arith.index_cast %get3A_221 : i32 to index
        %get3A_223 = arith.index_cast %mul3A_193 : i32 to index
        %get3A_224 = tpu.vector_load %arg7[%get3A_222, %get3A_223] {strides = array<i32>} : memref<32x2048xf32, #tpu.memory_space<vmem>>, vector<1x16xf32>,
        %get3A_225 = vector.shape_cast %get3A_224 : vector<1x16xf32> to vector<16xf32>
        %mul3A_226 = arith.mulf %get3A_225, %get3A_129 : vector<16xf32>
        %add3A_227 = arith.addf %add3A_220, %mul3A_226 : vector<16xf32>
        %get3A_228 = arith.constant 21 : i32
        %get3A_229 = arith.index_cast %get3A_228 : i32 to index
        %get3A_230 = arith.index_cast %mul3A_193 : i32 to index
        %get3A_231 = tpu.vector_load %arg7[%get3A_229, %get3A_230] {strides = array<i32>} : memref<32x2048xf32, #tpu.memory_space<vmem>>, vector<1x16xf32>,
        %get3A_232 = vector.shape_cast %get3A_231 : vector<1x16xf32> to vector<16xf32>
        %mul3A_233 = arith.mulf %get3A_232, %get3A_134 : vector<16xf32>
        %add3A_234 = arith.addf %add3A_227, %mul3A_233 : vector<16xf32>
        %get3A_235 = arith.constant 22 : i32
        %get3A_236 = arith.index_cast %get3A_235 : i32 to index
        %get3A_237 = arith.index_cast %mul3A_193 : i32 to index
        %get3A_238 = tpu.vector_load %arg7[%get3A_236, %get3A_237] {strides = array<i32>} : memref<32x2048xf32, #tpu.memory_space<vmem>>, vector<1x16xf32>,
        %get3A_239 = vector.shape_cast %get3A_238 : vector<1x16xf32> to vector<16xf32>
        %mul3A_240 = arith.mulf %get3A_239, %get3A_139 : vector<16xf32>
        %add3A_241 = arith.addf %add3A_234, %mul3A_240 : vector<16xf32>
        %get3A_242 = arith.constant 23 : i32
        %get3A_243 = arith.index_cast %get3A_242 : i32 to index
        %get3A_244 = arith.index_cast %mul3A_193 : i32 to index
        %get3A_245 = tpu.vector_load %arg7[%get3A_243, %get3A_244] {strides = array<i32>} : memref<32x2048xf32, #tpu.memory_space<vmem>>, vector<1x16xf32>,
        %get3A_246 = vector.shape_cast %get3A_245 : vector<1x16xf32> to vector<16xf32>
        %mul3A_247 = arith.mulf %get3A_246, %get3A_144 : vector<16xf32>
        %add3A_248 = arith.addf %add3A_241, %mul3A_247 : vector<16xf32>
        %get3A_249 = arith.constant 24 : i32
        %get3A_250 = arith.index_cast %get3A_249 : i32 to index
        %get3A_251 = arith.index_cast %mul3A_193 : i32 to index
        %get3A_252 = tpu.vector_load %arg7[%get3A_250, %get3A_251] {strides = array<i32>} : memref<32x2048xf32, #tpu.memory_space<vmem>>, vector<1x16xf32>,
        %get3A_253 = vector.shape_cast %get3A_252 : vector<1x16xf32> to vector<16xf32>
        %mul3A_254 = arith.mulf %get3A_253, %get3A_149 : vector<16xf32>
        %add3A_255 = arith.addf %add3A_248, %mul3A_254 : vector<16xf32>
        %get3A_256 = arith.constant 25 : i32
        %get3A_257 = arith.index_cast %get3A_256 : i32 to index
        %get3A_258 = arith.index_cast %mul3A_193 : i32 to index
        %get3A_259 = tpu.vector_load %arg7[%get3A_257, %get3A_258] {strides = array<i32>} : memref<32x2048xf32, #tpu.memory_space<vmem>>, vector<1x16xf32>,
        %get3A_260 = vector.shape_cast %get3A_259 : vector<1x16xf32> to vector<16xf32>
        %mul3A_261 = arith.mulf %get3A_260, %get3A_154 : vector<16xf32>
        %add3A_262 = arith.addf %add3A_255, %mul3A_261 : vector<16xf32>
        %get3A_263 = arith.constant 26 : i32
        %get3A_264 = arith.index_cast %get3A_263 : i32 to index
        %get3A_265 = arith.index_cast %mul3A_193 : i32 to index
        %get3A_266 = tpu.vector_load %arg7[%get3A_264, %get3A_265] {strides = array<i32>} : memref<32x2048xf32, #tpu.memory_space<vmem>>, vector<1x16xf32>,
        %get3A_267 = vector.shape_cast %get3A_266 : vector<1x16xf32> to vector<16xf32>
        %mul3A_268 = arith.mulf %get3A_267, %get3A_159 : vector<16xf32>
        %add3A_269 = arith.addf %add3A_262, %mul3A_268 : vector<16xf32>
        %get3A_270 = arith.constant 27 : i32
        %get3A_271 = arith.index_cast %get3A_270 : i32 to index
        %get3A_272 = arith.index_cast %mul3A_193 : i32 to index
        %get3A_273 = tpu.vector_load %arg7[%get3A_271, %get3A_272] {strides = array<i32>} : memref<32x2048xf32, #tpu.memory_space<vmem>>, vector<1x16xf32>,
        %get3A_274 = vector.shape_cast %get3A_273 : vector<1x16xf32> to vector<16xf32>
        %mul3A_275 = arith.mulf %get3A_274, %get3A_164 : vector<16xf32>
        %add3A_276 = arith.addf %add3A_269, %mul3A_275 : vector<16xf32>
        %get3A_277 = arith.constant 28 : i32
        %get3A_278 = arith.index_cast %get3A_277 : i32 to index
        %get3A_279 = arith.index_cast %mul3A_193 : i32 to index
        %get3A_280 = tpu.vector_load %arg7[%get3A_278, %get3A_279] {strides = array<i32>} : memref<32x2048xf32, #tpu.memory_space<vmem>>, vector<1x16xf32>,
        %get3A_281 = vector.shape_cast %get3A_280 : vector<1x16xf32> to vector<16xf32>
        %mul3A_282 = arith.mulf %get3A_281, %get3A_169 : vector<16xf32>
        %add3A_283 = arith.addf %add3A_276, %mul3A_282 : vector<16xf32>
        %get3A_284 = arith.constant 29 : i32
        %get3A_285 = arith.index_cast %get3A_284 : i32 to index
        %get3A_286 = arith.index_cast %mul3A_193 : i32 to index
        %get3A_287 = tpu.vector_load %arg7[%get3A_285, %get3A_286] {strides = array<i32>} : memref<32x2048xf32, #tpu.memory_space<vmem>>, vector<1x16xf32>,
        %get3A_288 = vector.shape_cast %get3A_287 : vector<1x16xf32> to vector<16xf32>
        %mul3A_289 = arith.mulf %get3A_288, %get3A_174 : vector<16xf32>
        %add3A_290 = arith.addf %add3A_283, %mul3A_289 : vector<16xf32>
        %get3A_291 = arith.constant 30 : i32
        %get3A_292 = arith.index_cast %get3A_291 : i32 to index
        %get3A_293 = arith.index_cast %mul3A_193 : i32 to index
        %get3A_294 = tpu.vector_load %arg7[%get3A_292, %get3A_293] {strides = array<i32>} : memref<32x2048xf32, #tpu.memory_space<vmem>>, vector<1x16xf32>,
        %get3A_295 = vector.shape_cast %get3A_294 : vector<1x16xf32> to vector<16xf32>
        %mul3A_296 = arith.mulf %get3A_295, %get3A_179 : vector<16xf32>
        %add3A_297 = arith.addf %add3A_290, %mul3A_296 : vector<16xf32>
        %get3A_298 = arith.constant 31 : i32
        %get3A_299 = arith.index_cast %get3A_298 : i32 to index
        %get3A_300 = arith.index_cast %mul3A_193 : i32 to index
        %get3A_301 = tpu.vector_load %arg7[%get3A_299, %get3A_300] {strides = array<i32>} : memref<32x2048xf32, #tpu.memory_space<vmem>>, vector<1x16xf32>,
        %get3A_302 = vector.shape_cast %get3A_301 : vector<1x16xf32> to vector<16xf32>
        %mul3A_303 = arith.mulf %get3A_302, %get3A_184 : vector<16xf32>
        %add3A_304 = arith.addf %add3A_297, %mul3A_303 : vector<16xf32>
        %swap3A = arith.constant 1 : i32
        %swap3A_305 = arith.index_cast %swap3A : i32 to index
        %swap3A_306 = arith.index_cast %mul3A_193 : i32 to index
        %swap3A_307 = tpu.vector_load %arg9[%swap3A_305, %swap3A_306] {strides = array<i32>} : memref<2x2048xf32, #tpu.memory_space<vmem>>, vector<1x16xf32>,
        %swap3A_308 = vector.shape_cast %swap3A_307 : vector<1x16xf32> to vector<16xf32>
        %swap3A_309 = vector.shape_cast %add3A_304 : vector<16xf32> to vector<1x16xf32>
        tpu.vector_store %arg9[%swap3A_305, %swap3A_306], %swap3A_309 {strides = array<i32>} : memref<2x2048xf32, #tpu.memory_space<vmem>>, vector<1x16xf32>,
      }
      %scan3A_190 = arith.constant 128 : i32
      "tpu.region"() ({
        %run_scoped3A = tpu.sem_alloc : memref<!tpu.dma_semaphore, #tpu.memory_space<semaphore_mem>>
        %dma_start3A_191 = arith.constant 0 : i32
        %dma_start3A_192 = tpu.memref_slice %arg5[%add3A_11, %dma_start3A_191] : memref<4096x2048xf32, #tpu.memory_space<hbm>> -> memref<2x2048xf32, #tpu.memory_space<hbm>>
        %dma_start3A_193 = arith.constant 0 : i32
        %dma_start3A_194 = tpu.memref_slice %arg5[%add3A_11, %dma_start3A_193] : memref<4096x2048xf32, #tpu.memory_space<hbm>> -> memref<2x2048xf32, #tpu.memory_space<hbm>>
        tpu.enqueue_dma source(%arg9 : memref<2x2048xf32, #tpu.memory_space<vmem>>) target(%dma_start3A_194 : memref<2x2048xf32, #tpu.memory_space<hbm>>) target_semaphore(%run_scoped3A : memref<!tpu.dma_semaphore, #tpu.memory_space<semaphore_mem>>)
        %dma_wait3A_195 = arith.constant 0 : i32
        %dma_wait3A_196 = tpu.memref_slice %arg5[%add3A_11, %dma_wait3A_195] : memref<4096x2048xf32, #tpu.memory_space<hbm>> -> memref<2x2048xf32, #tpu.memory_space<hbm>>
        %dma_wait3A_197 = arith.constant 0 : i32
        %dma_wait3A_198 = tpu.memref_slice %arg5[%add3A_11, %dma_wait3A_197] : memref<4096x2048xf32, #tpu.memory_space<hbm>> -> memref<2x2048xf32, #tpu.memory_space<hbm>>
        tpu.wait_dma2 semaphore(%run_scoped3A : memref<!tpu.dma_semaphore, #tpu.memory_space<semaphore_mem>>) src(%arg9 : memref<2x2048xf32, #tpu.memory_space<vmem>>) dst(%dma_wait3A_198 : memref<2x2048xf32, #tpu.memory_space<hbm>>)
        tpu.yield
      }) : () -> ()
    }
    %scan3A_7 = arith.constant 64 : i32
    return
  }
}

module attributes {stable_mosaic.version = 14 : i64} {
  func.func @_picks_body(%arg0: i32, %arg1: i32, %arg2: memref<3xf32, #tpu.memory_space<smem>>, %arg3: memref<1x2048x2048xbf16, #tpu.memory_space<vmem>>, %arg4: memref<1x256x16xi32, #tpu.memory_space<vmem>>, %arg5: memref<1x256x16xf32, #tpu.memory_space<vmem>>, %arg6: memref<256x2048xf32, #tpu.memory_space<vmem>>) attributes {dimension_semantics = [#tpu.dimension_semantics<arbitrary>, #tpu.dimension_semantics<arbitrary>], iteration_bounds = array<i64: 2, 8>, scalar_prefetch = 0 : i64, scratch_operands = 1 : i64, tpu.core_type = #tpu.core_type<tc>, window_params = [{transform_indices = @transform_0, window_bounds = array<i64: 3>}, {transform_indices = @transform_1, window_bounds = array<i64: 1, 2048, 2048>}, {transform_indices = @transform_2, window_bounds = array<i64: 1, 256, 16>}, {transform_indices = @transform_3, window_bounds = array<i64: 1, 256, 16>}]} {
    %mul3A = arith.constant 256 : i32
    %mul3A_0 = arith.muli %arg1, %mul3A : i32
    %get3A = arith.constant 0 : index
    %get3A_1 = arith.index_cast %mul3A_0 : i32 to index
    %get3A_2 = arith.constant 0 : index
    %get3A_3 = vector.load %arg3[%get3A, %get3A_1, %get3A_2] : memref<1x2048x2048xbf16, #tpu.memory_space<vmem>>, vector<1x256x2048xbf16>
    %get3A_4 = vector.shape_cast %get3A_3 : vector<1x256x2048xbf16> to vector<256x2048xbf16>
    %ge3A = arith.constant 0 : i32
    %ge3A_5 = arith.cmpi sge, %arg1, %ge3A : i32
    %convert_element_type3A = arith.extui %ge3A_5 : i1 to i32
    %cond3A = arith.constant 0 : i32
    %cond3A_6 = arith.cmpi ne, %convert_element_type3A, %cond3A : i32
    scf.if %cond3A_6 {
      %get3A_462 = arith.constant 0 : index
      %get3A_463 = arith.constant 0 : index
      %get3A_464 = arith.constant 0 : index
      %get3A_465 = vector.load %arg3[%get3A_462, %get3A_463, %get3A_464] : memref<1x2048x2048xbf16, #tpu.memory_space<vmem>>, vector<1x256x2048xbf16>
      %get3A_466 = vector.shape_cast %get3A_465 : vector<1x256x2048xbf16> to vector<256x2048xbf16>
      %dot_general3A = arith.constant dense<0.000000e+00> : vector<256x256xf32>
      %dot_general3A_467 = tpu.matmul %get3A_4, %get3A_466, %dot_general3A {dimension_numbers = #tpu.dot_dimension_numbers<[1], [1], [0], [0], [0, 0, 1, 0], [], []>, transpose_lhs_hint = false} : vector<256x2048xbf16>, vector<256x2048xbf16>, vector<256x256xf32> -> vector<256x256xf32>
      %swap3A_468 = arith.constant 0 : index
      %swap3A_469 = arith.constant 0 : index
      %swap3A_470 = vector.load %arg6[%swap3A_468, %swap3A_469] : memref<256x2048xf32, #tpu.memory_space<vmem>>, vector<256x256xf32>
      tpu.vector_store %arg6[%swap3A_468, %swap3A_469], %dot_general3A_467 {strides = array<i32>} : memref<256x2048xf32, #tpu.memory_space<vmem>>, vector<256x256xf32>,
    } else {
    }
    %ge3A_7 = arith.constant 1 : i32
    %ge3A_8 = arith.cmpi sge, %arg1, %ge3A_7 : i32
    %convert_element_type3A_9 = arith.extui %ge3A_8 : i1 to i32
    %cond3A_10 = arith.constant 0 : i32
    %cond3A_11 = arith.cmpi ne, %convert_element_type3A_9, %cond3A_10 : i32
    scf.if %cond3A_11 {
      %get3A_462 = arith.constant 0 : index
      %get3A_463 = arith.constant 256 : index
      %get3A_464 = arith.constant 0 : index
      %get3A_465 = vector.load %arg3[%get3A_462, %get3A_463, %get3A_464] : memref<1x2048x2048xbf16, #tpu.memory_space<vmem>>, vector<1x256x2048xbf16>
      %get3A_466 = vector.shape_cast %get3A_465 : vector<1x256x2048xbf16> to vector<256x2048xbf16>
      %dot_general3A = arith.constant dense<0.000000e+00> : vector<256x256xf32>
      %dot_general3A_467 = tpu.matmul %get3A_4, %get3A_466, %dot_general3A {dimension_numbers = #tpu.dot_dimension_numbers<[1], [1], [0], [0], [0, 0, 1, 0], [], []>, transpose_lhs_hint = false} : vector<256x2048xbf16>, vector<256x2048xbf16>, vector<256x256xf32> -> vector<256x256xf32>
      %swap3A_468 = arith.constant 0 : index
      %swap3A_469 = arith.constant 256 : index
      %swap3A_470 = vector.load %arg6[%swap3A_468, %swap3A_469] : memref<256x2048xf32, #tpu.memory_space<vmem>>, vector<256x256xf32>
      tpu.vector_store %arg6[%swap3A_468, %swap3A_469], %dot_general3A_467 {strides = array<i32>} : memref<256x2048xf32, #tpu.memory_space<vmem>>, vector<256x256xf32>,
    } else {
    }
    %ge3A_12 = arith.constant 2 : i32
    %ge3A_13 = arith.cmpi sge, %arg1, %ge3A_12 : i32
    %convert_element_type3A_14 = arith.extui %ge3A_13 : i1 to i32
    %cond3A_15 = arith.constant 0 : i32
    %cond3A_16 = arith.cmpi ne, %convert_element_type3A_14, %cond3A_15 : i32
    scf.if %cond3A_16 {
      %get3A_462 = arith.constant 0 : index
      %get3A_463 = arith.constant 512 : index
      %get3A_464 = arith.constant 0 : index
      %get3A_465 = vector.load %arg3[%get3A_462, %get3A_463, %get3A_464] : memref<1x2048x2048xbf16, #tpu.memory_space<vmem>>, vector<1x256x2048xbf16>
      %get3A_466 = vector.shape_cast %get3A_465 : vector<1x256x2048xbf16> to vector<256x2048xbf16>
      %dot_general3A = arith.constant dense<0.000000e+00> : vector<256x256xf32>
      %dot_general3A_467 = tpu.matmul %get3A_4, %get3A_466, %dot_general3A {dimension_numbers = #tpu.dot_dimension_numbers<[1], [1], [0], [0], [0, 0, 1, 0], [], []>, transpose_lhs_hint = false} : vector<256x2048xbf16>, vector<256x2048xbf16>, vector<256x256xf32> -> vector<256x256xf32>
      %swap3A_468 = arith.constant 0 : index
      %swap3A_469 = arith.constant 512 : index
      %swap3A_470 = vector.load %arg6[%swap3A_468, %swap3A_469] : memref<256x2048xf32, #tpu.memory_space<vmem>>, vector<256x256xf32>
      tpu.vector_store %arg6[%swap3A_468, %swap3A_469], %dot_general3A_467 {strides = array<i32>} : memref<256x2048xf32, #tpu.memory_space<vmem>>, vector<256x256xf32>,
    } else {
    }
    %ge3A_17 = arith.constant 3 : i32
    %ge3A_18 = arith.cmpi sge, %arg1, %ge3A_17 : i32
    %convert_element_type3A_19 = arith.extui %ge3A_18 : i1 to i32
    %cond3A_20 = arith.constant 0 : i32
    %cond3A_21 = arith.cmpi ne, %convert_element_type3A_19, %cond3A_20 : i32
    scf.if %cond3A_21 {
      %get3A_462 = arith.constant 0 : index
      %get3A_463 = arith.constant 768 : index
      %get3A_464 = arith.constant 0 : index
      %get3A_465 = vector.load %arg3[%get3A_462, %get3A_463, %get3A_464] : memref<1x2048x2048xbf16, #tpu.memory_space<vmem>>, vector<1x256x2048xbf16>
      %get3A_466 = vector.shape_cast %get3A_465 : vector<1x256x2048xbf16> to vector<256x2048xbf16>
      %dot_general3A = arith.constant dense<0.000000e+00> : vector<256x256xf32>
      %dot_general3A_467 = tpu.matmul %get3A_4, %get3A_466, %dot_general3A {dimension_numbers = #tpu.dot_dimension_numbers<[1], [1], [0], [0], [0, 0, 1, 0], [], []>, transpose_lhs_hint = false} : vector<256x2048xbf16>, vector<256x2048xbf16>, vector<256x256xf32> -> vector<256x256xf32>
      %swap3A_468 = arith.constant 0 : index
      %swap3A_469 = arith.constant 768 : index
      %swap3A_470 = vector.load %arg6[%swap3A_468, %swap3A_469] : memref<256x2048xf32, #tpu.memory_space<vmem>>, vector<256x256xf32>
      tpu.vector_store %arg6[%swap3A_468, %swap3A_469], %dot_general3A_467 {strides = array<i32>} : memref<256x2048xf32, #tpu.memory_space<vmem>>, vector<256x256xf32>,
    } else {
    }
    %ge3A_22 = arith.constant 4 : i32
    %ge3A_23 = arith.cmpi sge, %arg1, %ge3A_22 : i32
    %convert_element_type3A_24 = arith.extui %ge3A_23 : i1 to i32
    %cond3A_25 = arith.constant 0 : i32
    %cond3A_26 = arith.cmpi ne, %convert_element_type3A_24, %cond3A_25 : i32
    scf.if %cond3A_26 {
      %get3A_462 = arith.constant 0 : index
      %get3A_463 = arith.constant 1024 : index
      %get3A_464 = arith.constant 0 : index
      %get3A_465 = vector.load %arg3[%get3A_462, %get3A_463, %get3A_464] : memref<1x2048x2048xbf16, #tpu.memory_space<vmem>>, vector<1x256x2048xbf16>
      %get3A_466 = vector.shape_cast %get3A_465 : vector<1x256x2048xbf16> to vector<256x2048xbf16>
      %dot_general3A = arith.constant dense<0.000000e+00> : vector<256x256xf32>
      %dot_general3A_467 = tpu.matmul %get3A_4, %get3A_466, %dot_general3A {dimension_numbers = #tpu.dot_dimension_numbers<[1], [1], [0], [0], [0, 0, 1, 0], [], []>, transpose_lhs_hint = false} : vector<256x2048xbf16>, vector<256x2048xbf16>, vector<256x256xf32> -> vector<256x256xf32>
      %swap3A_468 = arith.constant 0 : index
      %swap3A_469 = arith.constant 1024 : index
      %swap3A_470 = vector.load %arg6[%swap3A_468, %swap3A_469] : memref<256x2048xf32, #tpu.memory_space<vmem>>, vector<256x256xf32>
      tpu.vector_store %arg6[%swap3A_468, %swap3A_469], %dot_general3A_467 {strides = array<i32>} : memref<256x2048xf32, #tpu.memory_space<vmem>>, vector<256x256xf32>,
    } else {
    }
    %ge3A_27 = arith.constant 5 : i32
    %ge3A_28 = arith.cmpi sge, %arg1, %ge3A_27 : i32
    %convert_element_type3A_29 = arith.extui %ge3A_28 : i1 to i32
    %cond3A_30 = arith.constant 0 : i32
    %cond3A_31 = arith.cmpi ne, %convert_element_type3A_29, %cond3A_30 : i32
    scf.if %cond3A_31 {
      %get3A_462 = arith.constant 0 : index
      %get3A_463 = arith.constant 1280 : index
      %get3A_464 = arith.constant 0 : index
      %get3A_465 = vector.load %arg3[%get3A_462, %get3A_463, %get3A_464] : memref<1x2048x2048xbf16, #tpu.memory_space<vmem>>, vector<1x256x2048xbf16>
      %get3A_466 = vector.shape_cast %get3A_465 : vector<1x256x2048xbf16> to vector<256x2048xbf16>
      %dot_general3A = arith.constant dense<0.000000e+00> : vector<256x256xf32>
      %dot_general3A_467 = tpu.matmul %get3A_4, %get3A_466, %dot_general3A {dimension_numbers = #tpu.dot_dimension_numbers<[1], [1], [0], [0], [0, 0, 1, 0], [], []>, transpose_lhs_hint = false} : vector<256x2048xbf16>, vector<256x2048xbf16>, vector<256x256xf32> -> vector<256x256xf32>
      %swap3A_468 = arith.constant 0 : index
      %swap3A_469 = arith.constant 1280 : index
      %swap3A_470 = vector.load %arg6[%swap3A_468, %swap3A_469] : memref<256x2048xf32, #tpu.memory_space<vmem>>, vector<256x256xf32>
      tpu.vector_store %arg6[%swap3A_468, %swap3A_469], %dot_general3A_467 {strides = array<i32>} : memref<256x2048xf32, #tpu.memory_space<vmem>>, vector<256x256xf32>,
    } else {
    }
    %ge3A_32 = arith.constant 6 : i32
    %ge3A_33 = arith.cmpi sge, %arg1, %ge3A_32 : i32
    %convert_element_type3A_34 = arith.extui %ge3A_33 : i1 to i32
    %cond3A_35 = arith.constant 0 : i32
    %cond3A_36 = arith.cmpi ne, %convert_element_type3A_34, %cond3A_35 : i32
    scf.if %cond3A_36 {
      %get3A_462 = arith.constant 0 : index
      %get3A_463 = arith.constant 1536 : index
      %get3A_464 = arith.constant 0 : index
      %get3A_465 = vector.load %arg3[%get3A_462, %get3A_463, %get3A_464] : memref<1x2048x2048xbf16, #tpu.memory_space<vmem>>, vector<1x256x2048xbf16>
      %get3A_466 = vector.shape_cast %get3A_465 : vector<1x256x2048xbf16> to vector<256x2048xbf16>
      %dot_general3A = arith.constant dense<0.000000e+00> : vector<256x256xf32>
      %dot_general3A_467 = tpu.matmul %get3A_4, %get3A_466, %dot_general3A {dimension_numbers = #tpu.dot_dimension_numbers<[1], [1], [0], [0], [0, 0, 1, 0], [], []>, transpose_lhs_hint = false} : vector<256x2048xbf16>, vector<256x2048xbf16>, vector<256x256xf32> -> vector<256x256xf32>
      %swap3A_468 = arith.constant 0 : index
      %swap3A_469 = arith.constant 1536 : index
      %swap3A_470 = vector.load %arg6[%swap3A_468, %swap3A_469] : memref<256x2048xf32, #tpu.memory_space<vmem>>, vector<256x256xf32>
      tpu.vector_store %arg6[%swap3A_468, %swap3A_469], %dot_general3A_467 {strides = array<i32>} : memref<256x2048xf32, #tpu.memory_space<vmem>>, vector<256x256xf32>,
    } else {
    }
    %ge3A_37 = arith.constant 7 : i32
    %ge3A_38 = arith.cmpi sge, %arg1, %ge3A_37 : i32
    %convert_element_type3A_39 = arith.extui %ge3A_38 : i1 to i32
    %cond3A_40 = arith.constant 0 : i32
    %cond3A_41 = arith.cmpi ne, %convert_element_type3A_39, %cond3A_40 : i32
    scf.if %cond3A_41 {
      %get3A_462 = arith.constant 0 : index
      %get3A_463 = arith.constant 1792 : index
      %get3A_464 = arith.constant 0 : index
      %get3A_465 = vector.load %arg3[%get3A_462, %get3A_463, %get3A_464] : memref<1x2048x2048xbf16, #tpu.memory_space<vmem>>, vector<1x256x2048xbf16>
      %get3A_466 = vector.shape_cast %get3A_465 : vector<1x256x2048xbf16> to vector<256x2048xbf16>
      %dot_general3A = arith.constant dense<0.000000e+00> : vector<256x256xf32>
      %dot_general3A_467 = tpu.matmul %get3A_4, %get3A_466, %dot_general3A {dimension_numbers = #tpu.dot_dimension_numbers<[1], [1], [0], [0], [0, 0, 1, 0], [], []>, transpose_lhs_hint = false} : vector<256x2048xbf16>, vector<256x2048xbf16>, vector<256x256xf32> -> vector<256x256xf32>
      %swap3A_468 = arith.constant 0 : index
      %swap3A_469 = arith.constant 1792 : index
      %swap3A_470 = vector.load %arg6[%swap3A_468, %swap3A_469] : memref<256x2048xf32, #tpu.memory_space<vmem>>, vector<256x256xf32>
      tpu.vector_store %arg6[%swap3A_468, %swap3A_469], %dot_general3A_467 {strides = array<i32>} : memref<256x2048xf32, #tpu.memory_space<vmem>>, vector<256x256xf32>,
    } else {
    }
    %iota3A = tpu.iota {dimensions = array<i32: 0>} : vector<256x1xi32>
    %add3A = vector.broadcast %mul3A_0 : i32 to vector<256x1xi32>
    %add3A_42 = arith.addi %add3A, %iota3A : vector<256x1xi32>
    %iota3A_43 = tpu.iota {dimensions = array<i32: 1>} : vector<256x2048xi32>
    %lt3A = vector.broadcast %add3A_42 : vector<256x1xi32> to vector<256x2048xi32>
    %lt3A_44 = arith.cmpi slt, %iota3A_43, %lt3A : vector<256x2048xi32>
    %get3A_45 = arith.constant 0 : index
    %get3A_46 = arith.constant 0 : index
    %get3A_47 = vector.load %arg6[%get3A_45, %get3A_46] : memref<256x2048xf32, #tpu.memory_space<vmem>>, vector<256x2048xf32>
    %jit3A = arith.constant -1.000000e+09 : f32
    %broadcast_in_dim3A = vector.broadcast %jit3A : f32 to vector<256x2048xf32>
    %select_n3A = arith.select %lt3A_44, %get3A_47, %broadcast_in_dim3A : vector<256x2048xi1>, vector<256x2048xf32>
    %get3A_48 = arith.constant 1 : index
    %get3A_49 = memref.load %arg2[%get3A_48] : memref<3xf32, #tpu.memory_space<smem>>
    %mul3A_50 = arith.constant 2048 : i32
    %mul3A_51 = arith.muli %arg0, %mul3A_50 : i32
    %reduce_max3A = arith.constant dense<0xFF800000> : vector<256xf32>
    %reduce_max3A_52 = vector.multi_reduction <maximumf>, %select_n3A, %reduce_max3A [1] : vector<256x2048xf32> to vector<256xf32>
    %broadcast_in_dim3A_53 = vector.shape_cast %reduce_max3A_52 : vector<256xf32> to vector<256x1xf32>
    %eq3A = vector.broadcast %broadcast_in_dim3A_53 : vector<256x1xf32> to vector<256x2048xf32>
    %eq3A_54 = arith.cmpf oeq, %select_n3A, %eq3A : vector<256x2048xf32>
    %jit3A_55 = arith.constant 2048 : i32
    %broadcast_in_dim3A_56 = vector.broadcast %jit3A_55 : i32 to vector<256x2048xi32>
    %select_n3A_57 = arith.select %eq3A_54, %iota3A_43, %broadcast_in_dim3A_56 : vector<256x2048xi1>, vector<256x2048xi32>
    %reduce_min3A = arith.constant dense<2147483647> : vector<256xi32>
    %reduce_min3A_58 = vector.multi_reduction <minsi>, %select_n3A_57, %reduce_min3A [1] : vector<256x2048xi32> to vector<256xi32>
    %broadcast_in_dim3A_59 = vector.shape_cast %reduce_min3A_58 : vector<256xi32> to vector<256x1xi32>
    %eq3A_60 = vector.broadcast %broadcast_in_dim3A_59 : vector<256x1xi32> to vector<256x2048xi32>
    %eq3A_61 = arith.cmpi eq, %iota3A_43, %eq3A_60 : vector<256x2048xi32>
    %gt3A = arith.constant -5.000000e+08 : f32
    %gt3A_62 = vector.broadcast %gt3A : f32 to vector<256x1xf32>
    %gt3A_63 = arith.cmpf ogt, %broadcast_in_dim3A_53, %gt3A_62 : vector<256x1xf32>
    %jit3A_64 = arith.constant -3.000000e+09 : f32
    %broadcast_in_dim3A_65 = vector.broadcast %jit3A_64 : f32 to vector<256x2048xf32>
    %select_n3A_66 = arith.select %eq3A_61, %broadcast_in_dim3A_65, %select_n3A : vector<256x2048xi1>, vector<256x2048xf32>
    %reduce_max3A_67 = arith.constant dense<0xFF800000> : vector<256xf32>
    %reduce_max3A_68 = vector.multi_reduction <maximumf>, %select_n3A_66, %reduce_max3A_67 [1] : vector<256x2048xf32> to vector<256xf32>
    %broadcast_in_dim3A_69 = vector.shape_cast %reduce_max3A_68 : vector<256xf32> to vector<256x1xf32>
    %eq3A_70 = vector.broadcast %broadcast_in_dim3A_69 : vector<256x1xf32> to vector<256x2048xf32>
    %eq3A_71 = arith.cmpf oeq, %select_n3A_66, %eq3A_70 : vector<256x2048xf32>
    %jit3A_72 = arith.constant 2048 : i32
    %broadcast_in_dim3A_73 = vector.broadcast %jit3A_72 : i32 to vector<256x2048xi32>
    %select_n3A_74 = arith.select %eq3A_71, %iota3A_43, %broadcast_in_dim3A_73 : vector<256x2048xi1>, vector<256x2048xi32>
    %reduce_min3A_75 = arith.constant dense<2147483647> : vector<256xi32>
    %reduce_min3A_76 = vector.multi_reduction <minsi>, %select_n3A_74, %reduce_min3A_75 [1] : vector<256x2048xi32> to vector<256xi32>
    %broadcast_in_dim3A_77 = vector.shape_cast %reduce_min3A_76 : vector<256xi32> to vector<256x1xi32>
    %eq3A_78 = vector.broadcast %broadcast_in_dim3A_77 : vector<256x1xi32> to vector<256x2048xi32>
    %eq3A_79 = arith.cmpi eq, %iota3A_43, %eq3A_78 : vector<256x2048xi32>
    %gt3A_80 = arith.constant -5.000000e+08 : f32
    %gt3A_81 = vector.broadcast %gt3A_80 : f32 to vector<256x1xf32>
    %gt3A_82 = arith.cmpf ogt, %broadcast_in_dim3A_69, %gt3A_81 : vector<256x1xf32>
    %jit3A_83 = arith.constant -3.000000e+09 : f32
    %broadcast_in_dim3A_84 = vector.broadcast %jit3A_83 : f32 to vector<256x2048xf32>
    %select_n3A_85 = arith.select %eq3A_79, %broadcast_in_dim3A_84, %select_n3A_66 : vector<256x2048xi1>, vector<256x2048xf32>
    %reduce_max3A_86 = arith.constant dense<0xFF800000> : vector<256xf32>
    %reduce_max3A_87 = vector.multi_reduction <maximumf>, %select_n3A_85, %reduce_max3A_86 [1] : vector<256x2048xf32> to vector<256xf32>
    %broadcast_in_dim3A_88 = vector.shape_cast %reduce_max3A_87 : vector<256xf32> to vector<256x1xf32>
    %eq3A_89 = vector.broadcast %broadcast_in_dim3A_88 : vector<256x1xf32> to vector<256x2048xf32>
    %eq3A_90 = arith.cmpf oeq, %select_n3A_85, %eq3A_89 : vector<256x2048xf32>
    %jit3A_91 = arith.constant 2048 : i32
    %broadcast_in_dim3A_92 = vector.broadcast %jit3A_91 : i32 to vector<256x2048xi32>
    %select_n3A_93 = arith.select %eq3A_90, %iota3A_43, %broadcast_in_dim3A_92 : vector<256x2048xi1>, vector<256x2048xi32>
    %reduce_min3A_94 = arith.constant dense<2147483647> : vector<256xi32>
    %reduce_min3A_95 = vector.multi_reduction <minsi>, %select_n3A_93, %reduce_min3A_94 [1] : vector<256x2048xi32> to vector<256xi32>
    %broadcast_in_dim3A_96 = vector.shape_cast %reduce_min3A_95 : vector<256xi32> to vector<256x1xi32>
    %eq3A_97 = vector.broadcast %broadcast_in_dim3A_96 : vector<256x1xi32> to vector<256x2048xi32>
    %eq3A_98 = arith.cmpi eq, %iota3A_43, %eq3A_97 : vector<256x2048xi32>
    %gt3A_99 = arith.constant -5.000000e+08 : f32
    %gt3A_100 = vector.broadcast %gt3A_99 : f32 to vector<256x1xf32>
    %gt3A_101 = arith.cmpf ogt, %broadcast_in_dim3A_88, %gt3A_100 : vector<256x1xf32>
    %jit3A_102 = arith.constant -3.000000e+09 : f32
    %broadcast_in_dim3A_103 = vector.broadcast %jit3A_102 : f32 to vector<256x2048xf32>
    %select_n3A_104 = arith.select %eq3A_98, %broadcast_in_dim3A_103, %select_n3A_85 : vector<256x2048xi1>, vector<256x2048xf32>
    %reduce_max3A_105 = arith.constant dense<0xFF800000> : vector<256xf32>
    %reduce_max3A_106 = vector.multi_reduction <maximumf>, %select_n3A_104, %reduce_max3A_105 [1] : vector<256x2048xf32> to vector<256xf32>
    %broadcast_in_dim3A_107 = vector.shape_cast %reduce_max3A_106 : vector<256xf32> to vector<256x1xf32>
    %eq3A_108 = vector.broadcast %broadcast_in_dim3A_107 : vector<256x1xf32> to vector<256x2048xf32>
    %eq3A_109 = arith.cmpf oeq, %select_n3A_104, %eq3A_108 : vector<256x2048xf32>
    %jit3A_110 = arith.constant 2048 : i32
    %broadcast_in_dim3A_111 = vector.broadcast %jit3A_110 : i32 to vector<256x2048xi32>
    %select_n3A_112 = arith.select %eq3A_109, %iota3A_43, %broadcast_in_dim3A_111 : vector<256x2048xi1>, vector<256x2048xi32>
    %reduce_min3A_113 = arith.constant dense<2147483647> : vector<256xi32>
    %reduce_min3A_114 = vector.multi_reduction <minsi>, %select_n3A_112, %reduce_min3A_113 [1] : vector<256x2048xi32> to vector<256xi32>
    %broadcast_in_dim3A_115 = vector.shape_cast %reduce_min3A_114 : vector<256xi32> to vector<256x1xi32>
    %eq3A_116 = vector.broadcast %broadcast_in_dim3A_115 : vector<256x1xi32> to vector<256x2048xi32>
    %eq3A_117 = arith.cmpi eq, %iota3A_43, %eq3A_116 : vector<256x2048xi32>
    %gt3A_118 = arith.constant -5.000000e+08 : f32
    %gt3A_119 = vector.broadcast %gt3A_118 : f32 to vector<256x1xf32>
    %gt3A_120 = arith.cmpf ogt, %broadcast_in_dim3A_107, %gt3A_119 : vector<256x1xf32>
    %jit3A_121 = arith.constant -3.000000e+09 : f32
    %broadcast_in_dim3A_122 = vector.broadcast %jit3A_121 : f32 to vector<256x2048xf32>
    %select_n3A_123 = arith.select %eq3A_117, %broadcast_in_dim3A_122, %select_n3A_104 : vector<256x2048xi1>, vector<256x2048xf32>
    %reduce_max3A_124 = arith.constant dense<0xFF800000> : vector<256xf32>
    %reduce_max3A_125 = vector.multi_reduction <maximumf>, %select_n3A_123, %reduce_max3A_124 [1] : vector<256x2048xf32> to vector<256xf32>
    %broadcast_in_dim3A_126 = vector.shape_cast %reduce_max3A_125 : vector<256xf32> to vector<256x1xf32>
    %eq3A_127 = vector.broadcast %broadcast_in_dim3A_126 : vector<256x1xf32> to vector<256x2048xf32>
    %eq3A_128 = arith.cmpf oeq, %select_n3A_123, %eq3A_127 : vector<256x2048xf32>
    %jit3A_129 = arith.constant 2048 : i32
    %broadcast_in_dim3A_130 = vector.broadcast %jit3A_129 : i32 to vector<256x2048xi32>
    %select_n3A_131 = arith.select %eq3A_128, %iota3A_43, %broadcast_in_dim3A_130 : vector<256x2048xi1>, vector<256x2048xi32>
    %reduce_min3A_132 = arith.constant dense<2147483647> : vector<256xi32>
    %reduce_min3A_133 = vector.multi_reduction <minsi>, %select_n3A_131, %reduce_min3A_132 [1] : vector<256x2048xi32> to vector<256xi32>
    %broadcast_in_dim3A_134 = vector.shape_cast %reduce_min3A_133 : vector<256xi32> to vector<256x1xi32>
    %eq3A_135 = vector.broadcast %broadcast_in_dim3A_134 : vector<256x1xi32> to vector<256x2048xi32>
    %eq3A_136 = arith.cmpi eq, %iota3A_43, %eq3A_135 : vector<256x2048xi32>
    %gt3A_137 = arith.constant -5.000000e+08 : f32
    %gt3A_138 = vector.broadcast %gt3A_137 : f32 to vector<256x1xf32>
    %gt3A_139 = arith.cmpf ogt, %broadcast_in_dim3A_126, %gt3A_138 : vector<256x1xf32>
    %jit3A_140 = arith.constant -3.000000e+09 : f32
    %broadcast_in_dim3A_141 = vector.broadcast %jit3A_140 : f32 to vector<256x2048xf32>
    %select_n3A_142 = arith.select %eq3A_136, %broadcast_in_dim3A_141, %select_n3A_123 : vector<256x2048xi1>, vector<256x2048xf32>
    %reduce_max3A_143 = arith.constant dense<0xFF800000> : vector<256xf32>
    %reduce_max3A_144 = vector.multi_reduction <maximumf>, %select_n3A_142, %reduce_max3A_143 [1] : vector<256x2048xf32> to vector<256xf32>
    %broadcast_in_dim3A_145 = vector.shape_cast %reduce_max3A_144 : vector<256xf32> to vector<256x1xf32>
    %eq3A_146 = vector.broadcast %broadcast_in_dim3A_145 : vector<256x1xf32> to vector<256x2048xf32>
    %eq3A_147 = arith.cmpf oeq, %select_n3A_142, %eq3A_146 : vector<256x2048xf32>
    %jit3A_148 = arith.constant 2048 : i32
    %broadcast_in_dim3A_149 = vector.broadcast %jit3A_148 : i32 to vector<256x2048xi32>
    %select_n3A_150 = arith.select %eq3A_147, %iota3A_43, %broadcast_in_dim3A_149 : vector<256x2048xi1>, vector<256x2048xi32>
    %reduce_min3A_151 = arith.constant dense<2147483647> : vector<256xi32>
    %reduce_min3A_152 = vector.multi_reduction <minsi>, %select_n3A_150, %reduce_min3A_151 [1] : vector<256x2048xi32> to vector<256xi32>
    %broadcast_in_dim3A_153 = vector.shape_cast %reduce_min3A_152 : vector<256xi32> to vector<256x1xi32>
    %eq3A_154 = vector.broadcast %broadcast_in_dim3A_153 : vector<256x1xi32> to vector<256x2048xi32>
    %eq3A_155 = arith.cmpi eq, %iota3A_43, %eq3A_154 : vector<256x2048xi32>
    %gt3A_156 = arith.constant -5.000000e+08 : f32
    %gt3A_157 = vector.broadcast %gt3A_156 : f32 to vector<256x1xf32>
    %gt3A_158 = arith.cmpf ogt, %broadcast_in_dim3A_145, %gt3A_157 : vector<256x1xf32>
    %jit3A_159 = arith.constant -3.000000e+09 : f32
    %broadcast_in_dim3A_160 = vector.broadcast %jit3A_159 : f32 to vector<256x2048xf32>
    %select_n3A_161 = arith.select %eq3A_155, %broadcast_in_dim3A_160, %select_n3A_142 : vector<256x2048xi1>, vector<256x2048xf32>
    %reduce_max3A_162 = arith.constant dense<0xFF800000> : vector<256xf32>
    %reduce_max3A_163 = vector.multi_reduction <maximumf>, %select_n3A_161, %reduce_max3A_162 [1] : vector<256x2048xf32> to vector<256xf32>
    %broadcast_in_dim3A_164 = vector.shape_cast %reduce_max3A_163 : vector<256xf32> to vector<256x1xf32>
    %eq3A_165 = vector.broadcast %broadcast_in_dim3A_164 : vector<256x1xf32> to vector<256x2048xf32>
    %eq3A_166 = arith.cmpf oeq, %select_n3A_161, %eq3A_165 : vector<256x2048xf32>
    %jit3A_167 = arith.constant 2048 : i32
    %broadcast_in_dim3A_168 = vector.broadcast %jit3A_167 : i32 to vector<256x2048xi32>
    %select_n3A_169 = arith.select %eq3A_166, %iota3A_43, %broadcast_in_dim3A_168 : vector<256x2048xi1>, vector<256x2048xi32>
    %reduce_min3A_170 = arith.constant dense<2147483647> : vector<256xi32>
    %reduce_min3A_171 = vector.multi_reduction <minsi>, %select_n3A_169, %reduce_min3A_170 [1] : vector<256x2048xi32> to vector<256xi32>
    %broadcast_in_dim3A_172 = vector.shape_cast %reduce_min3A_171 : vector<256xi32> to vector<256x1xi32>
    %eq3A_173 = vector.broadcast %broadcast_in_dim3A_172 : vector<256x1xi32> to vector<256x2048xi32>
    %eq3A_174 = arith.cmpi eq, %iota3A_43, %eq3A_173 : vector<256x2048xi32>
    %gt3A_175 = arith.constant -5.000000e+08 : f32
    %gt3A_176 = vector.broadcast %gt3A_175 : f32 to vector<256x1xf32>
    %gt3A_177 = arith.cmpf ogt, %broadcast_in_dim3A_164, %gt3A_176 : vector<256x1xf32>
    %jit3A_178 = arith.constant -3.000000e+09 : f32
    %broadcast_in_dim3A_179 = vector.broadcast %jit3A_178 : f32 to vector<256x2048xf32>
    %select_n3A_180 = arith.select %eq3A_174, %broadcast_in_dim3A_179, %select_n3A_161 : vector<256x2048xi1>, vector<256x2048xf32>
    %reduce_max3A_181 = arith.constant dense<0xFF800000> : vector<256xf32>
    %reduce_max3A_182 = vector.multi_reduction <maximumf>, %select_n3A_180, %reduce_max3A_181 [1] : vector<256x2048xf32> to vector<256xf32>
    %broadcast_in_dim3A_183 = vector.shape_cast %reduce_max3A_182 : vector<256xf32> to vector<256x1xf32>
    %eq3A_184 = vector.broadcast %broadcast_in_dim3A_183 : vector<256x1xf32> to vector<256x2048xf32>
    %eq3A_185 = arith.cmpf oeq, %select_n3A_180, %eq3A_184 : vector<256x2048xf32>
    %jit3A_186 = arith.constant 2048 : i32
    %broadcast_in_dim3A_187 = vector.broadcast %jit3A_186 : i32 to vector<256x2048xi32>
    %select_n3A_188 = arith.select %eq3A_185, %iota3A_43, %broadcast_in_dim3A_187 : vector<256x2048xi1>, vector<256x2048xi32>
    %reduce_min3A_189 = arith.constant dense<2147483647> : vector<256xi32>
    %reduce_min3A_190 = vector.multi_reduction <minsi>, %select_n3A_188, %reduce_min3A_189 [1] : vector<256x2048xi32> to vector<256xi32>
    %broadcast_in_dim3A_191 = vector.shape_cast %reduce_min3A_190 : vector<256xi32> to vector<256x1xi32>
    %eq3A_192 = vector.broadcast %broadcast_in_dim3A_191 : vector<256x1xi32> to vector<256x2048xi32>
    %eq3A_193 = arith.cmpi eq, %iota3A_43, %eq3A_192 : vector<256x2048xi32>
    %gt3A_194 = arith.constant -5.000000e+08 : f32
    %gt3A_195 = vector.broadcast %gt3A_194 : f32 to vector<256x1xf32>
    %gt3A_196 = arith.cmpf ogt, %broadcast_in_dim3A_183, %gt3A_195 : vector<256x1xf32>
    %jit3A_197 = arith.constant -3.000000e+09 : f32
    %broadcast_in_dim3A_198 = vector.broadcast %jit3A_197 : f32 to vector<256x2048xf32>
    %select_n3A_199 = arith.select %eq3A_193, %broadcast_in_dim3A_198, %select_n3A_180 : vector<256x2048xi1>, vector<256x2048xf32>
    %broadcast_in_dim3A_200 = arith.constant 0.000000e+00 : f32
    %broadcast_in_dim3A_201 = vector.broadcast %broadcast_in_dim3A_200 : f32 to vector<256x1xf32>
    %convert_element_type3A_202 = arith.extui %gt3A_63 : vector<256x1xi1> to vector<256x1xi32>
    %convert_element_type3A_203 = arith.sitofp %convert_element_type3A_202 : vector<256x1xi32> to vector<256x1xf32>
    %add3A_204 = arith.addf %broadcast_in_dim3A_201, %convert_element_type3A_203 : vector<256x1xf32>
    %convert_element_type3A_205 = arith.extui %gt3A_82 : vector<256x1xi1> to vector<256x1xi32>
    %convert_element_type3A_206 = arith.sitofp %convert_element_type3A_205 : vector<256x1xi32> to vector<256x1xf32>
    %add3A_207 = arith.addf %add3A_204, %convert_element_type3A_206 : vector<256x1xf32>
    %convert_element_type3A_208 = arith.extui %gt3A_101 : vector<256x1xi1> to vector<256x1xi32>
    %convert_element_type3A_209 = arith.sitofp %convert_element_type3A_208 : vector<256x1xi32> to vector<256x1xf32>
    %add3A_210 = arith.addf %add3A_207, %convert_element_type3A_209 : vector<256x1xf32>
    %convert_element_type3A_211 = arith.extui %gt3A_120 : vector<256x1xi1> to vector<256x1xi32>
    %convert_element_type3A_212 = arith.sitofp %convert_element_type3A_211 : vector<256x1xi32> to vector<256x1xf32>
    %add3A_213 = arith.addf %add3A_210, %convert_element_type3A_212 : vector<256x1xf32>
    %convert_element_type3A_214 = arith.extui %gt3A_139 : vector<256x1xi1> to vector<256x1xi32>
    %convert_element_type3A_215 = arith.sitofp %convert_element_type3A_214 : vector<256x1xi32> to vector<256x1xf32>
    %add3A_216 = arith.addf %add3A_213, %convert_element_type3A_215 : vector<256x1xf32>
    %convert_element_type3A_217 = arith.extui %gt3A_158 : vector<256x1xi1> to vector<256x1xi32>
    %convert_element_type3A_218 = arith.sitofp %convert_element_type3A_217 : vector<256x1xi32> to vector<256x1xf32>
    %add3A_219 = arith.addf %add3A_216, %convert_element_type3A_218 : vector<256x1xf32>
    %convert_element_type3A_220 = arith.extui %gt3A_177 : vector<256x1xi1> to vector<256x1xi32>
    %convert_element_type3A_221 = arith.sitofp %convert_element_type3A_220 : vector<256x1xi32> to vector<256x1xf32>
    %add3A_222 = arith.addf %add3A_219, %convert_element_type3A_221 : vector<256x1xf32>
    %convert_element_type3A_223 = arith.extui %gt3A_196 : vector<256x1xi1> to vector<256x1xi32>
    %convert_element_type3A_224 = arith.sitofp %convert_element_type3A_223 : vector<256x1xi32> to vector<256x1xf32>
    %add3A_225 = arith.addf %add3A_222, %convert_element_type3A_224 : vector<256x1xf32>
    %gt3A_226 = arith.constant -5.000000e+08 : f32
    %gt3A_227 = vector.broadcast %gt3A_226 : f32 to vector<256x2048xf32>
    %gt3A_228 = arith.cmpf ogt, %select_n3A_199, %gt3A_227 : vector<256x2048xf32>
    %jit3A_229 = arith.constant 1.000000e+09 : f32
    %broadcast_in_dim3A_230 = vector.broadcast %jit3A_229 : f32 to vector<256x2048xf32>
    %select_n3A_231 = arith.select %gt3A_228, %select_n3A_199, %broadcast_in_dim3A_230 : vector<256x2048xi1>, vector<256x2048xf32>
    %sub3A = arith.constant 2048 : i32
    %sub3A_232 = vector.broadcast %sub3A : i32 to vector<256x1xi32>
    %sub3A_233 = arith.subi %sub3A_232, %add3A_42 : vector<256x1xi32>
    %sub3A_234 = arith.constant 4 : i32
    %sub3A_235 = vector.broadcast %sub3A_234 : i32 to vector<256x1xi32>
    %sub3A_236 = arith.subi %sub3A_235, %sub3A_233 : vector<256x1xi32>
    %max3A = arith.constant 0 : i32
    %max3A_237 = vector.broadcast %max3A : i32 to vector<256x1xi32>
    %max3A_238 = arith.maxsi %max3A_237, %sub3A_236 : vector<256x1xi32>
    %reduce_min3A_239 = arith.constant dense<0x7F800000> : vector<256xf32>
    %reduce_min3A_240 = vector.multi_reduction <minimumf>, %select_n3A_231, %reduce_min3A_239 [1] : vector<256x2048xf32> to vector<256xf32>
    %broadcast_in_dim3A_241 = vector.shape_cast %reduce_min3A_240 : vector<256xf32> to vector<256x1xf32>
    %eq3A_242 = vector.broadcast %broadcast_in_dim3A_241 : vector<256x1xf32> to vector<256x2048xf32>
    %eq3A_243 = arith.cmpf oeq, %select_n3A_231, %eq3A_242 : vector<256x2048xf32>
    %jit3A_244 = arith.constant 2048 : i32
    %broadcast_in_dim3A_245 = vector.broadcast %jit3A_244 : i32 to vector<256x2048xi32>
    %select_n3A_246 = arith.select %eq3A_243, %iota3A_43, %broadcast_in_dim3A_245 : vector<256x2048xi1>, vector<256x2048xi32>
    %reduce_min3A_247 = arith.constant dense<2147483647> : vector<256xi32>
    %reduce_min3A_248 = vector.multi_reduction <minsi>, %select_n3A_246, %reduce_min3A_247 [1] : vector<256x2048xi32> to vector<256xi32>
    %broadcast_in_dim3A_249 = vector.shape_cast %reduce_min3A_248 : vector<256xi32> to vector<256x1xi32>
    %eq3A_250 = vector.broadcast %broadcast_in_dim3A_249 : vector<256x1xi32> to vector<256x2048xi32>
    %eq3A_251 = arith.cmpi eq, %iota3A_43, %eq3A_250 : vector<256x2048xi32>
    %lt3A_252 = arith.constant 5.000000e+08 : f32
    %lt3A_253 = vector.broadcast %lt3A_252 : f32 to vector<256x1xf32>
    %lt3A_254 = arith.cmpf olt, %broadcast_in_dim3A_241, %lt3A_253 : vector<256x1xf32>
    %gt3A_255 = arith.constant 0 : i32
    %gt3A_256 = vector.broadcast %gt3A_255 : i32 to vector<256x1xi32>
    %gt3A_257 = arith.cmpi sgt, %max3A_238, %gt3A_256 : vector<256x1xi32>
    %and3A = arith.andi %lt3A_254, %gt3A_257 : vector<256x1xi1>
    %jit3A_258 = arith.constant 3.000000e+09 : f32
    %broadcast_in_dim3A_259 = vector.broadcast %jit3A_258 : f32 to vector<256x2048xf32>
    %select_n3A_260 = arith.select %eq3A_251, %broadcast_in_dim3A_259, %select_n3A_231 : vector<256x2048xi1>, vector<256x2048xf32>
    %reduce_min3A_261 = arith.constant dense<0x7F800000> : vector<256xf32>
    %reduce_min3A_262 = vector.multi_reduction <minimumf>, %select_n3A_260, %reduce_min3A_261 [1] : vector<256x2048xf32> to vector<256xf32>
    %broadcast_in_dim3A_263 = vector.shape_cast %reduce_min3A_262 : vector<256xf32> to vector<256x1xf32>
    %eq3A_264 = vector.broadcast %broadcast_in_dim3A_263 : vector<256x1xf32> to vector<256x2048xf32>
    %eq3A_265 = arith.cmpf oeq, %select_n3A_260, %eq3A_264 : vector<256x2048xf32>
    %jit3A_266 = arith.constant 2048 : i32
    %broadcast_in_dim3A_267 = vector.broadcast %jit3A_266 : i32 to vector<256x2048xi32>
    %select_n3A_268 = arith.select %eq3A_265, %iota3A_43, %broadcast_in_dim3A_267 : vector<256x2048xi1>, vector<256x2048xi32>
    %reduce_min3A_269 = arith.constant dense<2147483647> : vector<256xi32>
    %reduce_min3A_270 = vector.multi_reduction <minsi>, %select_n3A_268, %reduce_min3A_269 [1] : vector<256x2048xi32> to vector<256xi32>
    %broadcast_in_dim3A_271 = vector.shape_cast %reduce_min3A_270 : vector<256xi32> to vector<256x1xi32>
    %eq3A_272 = vector.broadcast %broadcast_in_dim3A_271 : vector<256x1xi32> to vector<256x2048xi32>
    %eq3A_273 = arith.cmpi eq, %iota3A_43, %eq3A_272 : vector<256x2048xi32>
    %lt3A_274 = arith.constant 5.000000e+08 : f32
    %lt3A_275 = vector.broadcast %lt3A_274 : f32 to vector<256x1xf32>
    %lt3A_276 = arith.cmpf olt, %broadcast_in_dim3A_263, %lt3A_275 : vector<256x1xf32>
    %gt3A_277 = arith.constant 1 : i32
    %gt3A_278 = vector.broadcast %gt3A_277 : i32 to vector<256x1xi32>
    %gt3A_279 = arith.cmpi sgt, %max3A_238, %gt3A_278 : vector<256x1xi32>
    %and3A_280 = arith.andi %lt3A_276, %gt3A_279 : vector<256x1xi1>
    %jit3A_281 = arith.constant 3.000000e+09 : f32
    %broadcast_in_dim3A_282 = vector.broadcast %jit3A_281 : f32 to vector<256x2048xf32>
    %select_n3A_283 = arith.select %eq3A_273, %broadcast_in_dim3A_282, %select_n3A_260 : vector<256x2048xi1>, vector<256x2048xf32>
    %reduce_min3A_284 = arith.constant dense<0x7F800000> : vector<256xf32>
    %reduce_min3A_285 = vector.multi_reduction <minimumf>, %select_n3A_283, %reduce_min3A_284 [1] : vector<256x2048xf32> to vector<256xf32>
    %broadcast_in_dim3A_286 = vector.shape_cast %reduce_min3A_285 : vector<256xf32> to vector<256x1xf32>
    %eq3A_287 = vector.broadcast %broadcast_in_dim3A_286 : vector<256x1xf32> to vector<256x2048xf32>
    %eq3A_288 = arith.cmpf oeq, %select_n3A_283, %eq3A_287 : vector<256x2048xf32>
    %jit3A_289 = arith.constant 2048 : i32
    %broadcast_in_dim3A_290 = vector.broadcast %jit3A_289 : i32 to vector<256x2048xi32>
    %select_n3A_291 = arith.select %eq3A_288, %iota3A_43, %broadcast_in_dim3A_290 : vector<256x2048xi1>, vector<256x2048xi32>
    %reduce_min3A_292 = arith.constant dense<2147483647> : vector<256xi32>
    %reduce_min3A_293 = vector.multi_reduction <minsi>, %select_n3A_291, %reduce_min3A_292 [1] : vector<256x2048xi32> to vector<256xi32>
    %broadcast_in_dim3A_294 = vector.shape_cast %reduce_min3A_293 : vector<256xi32> to vector<256x1xi32>
    %eq3A_295 = vector.broadcast %broadcast_in_dim3A_294 : vector<256x1xi32> to vector<256x2048xi32>
    %eq3A_296 = arith.cmpi eq, %iota3A_43, %eq3A_295 : vector<256x2048xi32>
    %lt3A_297 = arith.constant 5.000000e+08 : f32
    %lt3A_298 = vector.broadcast %lt3A_297 : f32 to vector<256x1xf32>
    %lt3A_299 = arith.cmpf olt, %broadcast_in_dim3A_286, %lt3A_298 : vector<256x1xf32>
    %gt3A_300 = arith.constant 2 : i32
    %gt3A_301 = vector.broadcast %gt3A_300 : i32 to vector<256x1xi32>
    %gt3A_302 = arith.cmpi sgt, %max3A_238, %gt3A_301 : vector<256x1xi32>
    %and3A_303 = arith.andi %lt3A_299, %gt3A_302 : vector<256x1xi1>
    %jit3A_304 = arith.constant 3.000000e+09 : f32
    %broadcast_in_dim3A_305 = vector.broadcast %jit3A_304 : f32 to vector<256x2048xf32>
    %select_n3A_306 = arith.select %eq3A_296, %broadcast_in_dim3A_305, %select_n3A_283 : vector<256x2048xi1>, vector<256x2048xf32>
    %reduce_min3A_307 = arith.constant dense<0x7F800000> : vector<256xf32>
    %reduce_min3A_308 = vector.multi_reduction <minimumf>, %select_n3A_306, %reduce_min3A_307 [1] : vector<256x2048xf32> to vector<256xf32>
    %broadcast_in_dim3A_309 = vector.shape_cast %reduce_min3A_308 : vector<256xf32> to vector<256x1xf32>
    %eq3A_310 = vector.broadcast %broadcast_in_dim3A_309 : vector<256x1xf32> to vector<256x2048xf32>
    %eq3A_311 = arith.cmpf oeq, %select_n3A_306, %eq3A_310 : vector<256x2048xf32>
    %jit3A_312 = arith.constant 2048 : i32
    %broadcast_in_dim3A_313 = vector.broadcast %jit3A_312 : i32 to vector<256x2048xi32>
    %select_n3A_314 = arith.select %eq3A_311, %iota3A_43, %broadcast_in_dim3A_313 : vector<256x2048xi1>, vector<256x2048xi32>
    %reduce_min3A_315 = arith.constant dense<2147483647> : vector<256xi32>
    %reduce_min3A_316 = vector.multi_reduction <minsi>, %select_n3A_314, %reduce_min3A_315 [1] : vector<256x2048xi32> to vector<256xi32>
    %broadcast_in_dim3A_317 = vector.shape_cast %reduce_min3A_316 : vector<256xi32> to vector<256x1xi32>
    %lt3A_318 = arith.constant 5.000000e+08 : f32
    %lt3A_319 = vector.broadcast %lt3A_318 : f32 to vector<256x1xf32>
    %lt3A_320 = arith.cmpf olt, %broadcast_in_dim3A_309, %lt3A_319 : vector<256x1xf32>
    %gt3A_321 = arith.constant 3 : i32
    %gt3A_322 = vector.broadcast %gt3A_321 : i32 to vector<256x1xi32>
    %gt3A_323 = arith.cmpi sgt, %max3A_238, %gt3A_322 : vector<256x1xi32>
    %and3A_324 = arith.andi %lt3A_320, %gt3A_323 : vector<256x1xi1>
    %broadcast_in_dim3A_325 = arith.constant 0.000000e+00 : f32
    %broadcast_in_dim3A_326 = vector.broadcast %broadcast_in_dim3A_325 : f32 to vector<256x1xf32>
    %convert_element_type3A_327 = arith.extui %and3A : vector<256x1xi1> to vector<256x1xi32>
    %convert_element_type3A_328 = arith.sitofp %convert_element_type3A_327 : vector<256x1xi32> to vector<256x1xf32>
    %add3A_329 = arith.addf %broadcast_in_dim3A_326, %convert_element_type3A_328 : vector<256x1xf32>
    %convert_element_type3A_330 = arith.extui %and3A_280 : vector<256x1xi1> to vector<256x1xi32>
    %convert_element_type3A_331 = arith.sitofp %convert_element_type3A_330 : vector<256x1xi32> to vector<256x1xf32>
    %add3A_332 = arith.addf %add3A_329, %convert_element_type3A_331 : vector<256x1xf32>
    %convert_element_type3A_333 = arith.extui %and3A_303 : vector<256x1xi1> to vector<256x1xi32>
    %convert_element_type3A_334 = arith.sitofp %convert_element_type3A_333 : vector<256x1xi32> to vector<256x1xf32>
    %add3A_335 = arith.addf %add3A_332, %convert_element_type3A_334 : vector<256x1xf32>
    %convert_element_type3A_336 = arith.extui %and3A_324 : vector<256x1xi1> to vector<256x1xi32>
    %convert_element_type3A_337 = arith.sitofp %convert_element_type3A_336 : vector<256x1xi32> to vector<256x1xf32>
    %add3A_338 = arith.addf %add3A_335, %convert_element_type3A_337 : vector<256x1xf32>
    %max3A_339 = arith.constant 1.000000e+00 : f32
    %max3A_340 = vector.broadcast %max3A_339 : f32 to vector<256x1xf32>
    %max3A_341 = arith.maximumf %add3A_225, %max3A_340 : vector<256x1xf32>
    %div3A = vector.broadcast %get3A_49 : f32 to vector<256x1xf32>
    %div3A_342 = arith.divf %div3A, %max3A_341 : vector<256x1xf32>
    %sub3A_343 = arith.constant 1.000000e+00 : f32
    %sub3A_344 = arith.subf %sub3A_343, %get3A_49 : f32
    %max3A_345 = arith.constant 1.000000e+00 : f32
    %max3A_346 = vector.broadcast %max3A_345 : f32 to vector<256x1xf32>
    %max3A_347 = arith.maximumf %add3A_338, %max3A_346 : vector<256x1xf32>
    %div3A_348 = vector.broadcast %sub3A_344 : f32 to vector<256x1xf32>
    %div3A_349 = arith.divf %div3A_348, %max3A_347 : vector<256x1xf32>
    %add3A_350 = vector.broadcast %mul3A_51 : i32 to vector<256x1xi32>
    %add3A_351 = arith.addi %broadcast_in_dim3A_59, %add3A_350 : vector<256x1xi32>
    %jit3A_352 = arith.constant 0 : i32
    %broadcast_in_dim3A_353 = vector.broadcast %jit3A_352 : i32 to vector<256x1xi32>
    %select_n3A_354 = arith.select %gt3A_63, %add3A_351, %broadcast_in_dim3A_353 : vector<256x1xi1>, vector<256x1xi32>
    %add3A_355 = vector.broadcast %mul3A_51 : i32 to vector<256x1xi32>
    %add3A_356 = arith.addi %broadcast_in_dim3A_77, %add3A_355 : vector<256x1xi32>
    %jit3A_357 = arith.constant 0 : i32
    %broadcast_in_dim3A_358 = vector.broadcast %jit3A_357 : i32 to vector<256x1xi32>
    %select_n3A_359 = arith.select %gt3A_82, %add3A_356, %broadcast_in_dim3A_358 : vector<256x1xi1>, vector<256x1xi32>
    %add3A_360 = vector.broadcast %mul3A_51 : i32 to vector<256x1xi32>
    %add3A_361 = arith.addi %broadcast_in_dim3A_96, %add3A_360 : vector<256x1xi32>
    %jit3A_362 = arith.constant 0 : i32
    %broadcast_in_dim3A_363 = vector.broadcast %jit3A_362 : i32 to vector<256x1xi32>
    %select_n3A_364 = arith.select %gt3A_101, %add3A_361, %broadcast_in_dim3A_363 : vector<256x1xi1>, vector<256x1xi32>
    %add3A_365 = vector.broadcast %mul3A_51 : i32 to vector<256x1xi32>
    %add3A_366 = arith.addi %broadcast_in_dim3A_115, %add3A_365 : vector<256x1xi32>
    %jit3A_367 = arith.constant 0 : i32
    %broadcast_in_dim3A_368 = vector.broadcast %jit3A_367 : i32 to vector<256x1xi32>
    %select_n3A_369 = arith.select %gt3A_120, %add3A_366, %broadcast_in_dim3A_368 : vector<256x1xi1>, vector<256x1xi32>
    %add3A_370 = vector.broadcast %mul3A_51 : i32 to vector<256x1xi32>
    %add3A_371 = arith.addi %broadcast_in_dim3A_134, %add3A_370 : vector<256x1xi32>
    %jit3A_372 = arith.constant 0 : i32
    %broadcast_in_dim3A_373 = vector.broadcast %jit3A_372 : i32 to vector<256x1xi32>
    %select_n3A_374 = arith.select %gt3A_139, %add3A_371, %broadcast_in_dim3A_373 : vector<256x1xi1>, vector<256x1xi32>
    %add3A_375 = vector.broadcast %mul3A_51 : i32 to vector<256x1xi32>
    %add3A_376 = arith.addi %broadcast_in_dim3A_153, %add3A_375 : vector<256x1xi32>
    %jit3A_377 = arith.constant 0 : i32
    %broadcast_in_dim3A_378 = vector.broadcast %jit3A_377 : i32 to vector<256x1xi32>
    %select_n3A_379 = arith.select %gt3A_158, %add3A_376, %broadcast_in_dim3A_378 : vector<256x1xi1>, vector<256x1xi32>
    %add3A_380 = vector.broadcast %mul3A_51 : i32 to vector<256x1xi32>
    %add3A_381 = arith.addi %broadcast_in_dim3A_172, %add3A_380 : vector<256x1xi32>
    %jit3A_382 = arith.constant 0 : i32
    %broadcast_in_dim3A_383 = vector.broadcast %jit3A_382 : i32 to vector<256x1xi32>
    %select_n3A_384 = arith.select %gt3A_177, %add3A_381, %broadcast_in_dim3A_383 : vector<256x1xi1>, vector<256x1xi32>
    %add3A_385 = vector.broadcast %mul3A_51 : i32 to vector<256x1xi32>
    %add3A_386 = arith.addi %broadcast_in_dim3A_191, %add3A_385 : vector<256x1xi32>
    %jit3A_387 = arith.constant 0 : i32
    %broadcast_in_dim3A_388 = vector.broadcast %jit3A_387 : i32 to vector<256x1xi32>
    %select_n3A_389 = arith.select %gt3A_196, %add3A_386, %broadcast_in_dim3A_388 : vector<256x1xi1>, vector<256x1xi32>
    %add3A_390 = vector.broadcast %mul3A_51 : i32 to vector<256x1xi32>
    %add3A_391 = arith.addi %broadcast_in_dim3A_249, %add3A_390 : vector<256x1xi32>
    %jit3A_392 = arith.constant 0 : i32
    %broadcast_in_dim3A_393 = vector.broadcast %jit3A_392 : i32 to vector<256x1xi32>
    %select_n3A_394 = arith.select %and3A, %add3A_391, %broadcast_in_dim3A_393 : vector<256x1xi1>, vector<256x1xi32>
    %add3A_395 = vector.broadcast %mul3A_51 : i32 to vector<256x1xi32>
    %add3A_396 = arith.addi %broadcast_in_dim3A_271, %add3A_395 : vector<256x1xi32>
    %jit3A_397 = arith.constant 0 : i32
    %broadcast_in_dim3A_398 = vector.broadcast %jit3A_397 : i32 to vector<256x1xi32>
    %select_n3A_399 = arith.select %and3A_280, %add3A_396, %broadcast_in_dim3A_398 : vector<256x1xi1>, vector<256x1xi32>
    %add3A_400 = vector.broadcast %mul3A_51 : i32 to vector<256x1xi32>
    %add3A_401 = arith.addi %broadcast_in_dim3A_294, %add3A_400 : vector<256x1xi32>
    %jit3A_402 = arith.constant 0 : i32
    %broadcast_in_dim3A_403 = vector.broadcast %jit3A_402 : i32 to vector<256x1xi32>
    %select_n3A_404 = arith.select %and3A_303, %add3A_401, %broadcast_in_dim3A_403 : vector<256x1xi1>, vector<256x1xi32>
    %add3A_405 = vector.broadcast %mul3A_51 : i32 to vector<256x1xi32>
    %add3A_406 = arith.addi %broadcast_in_dim3A_317, %add3A_405 : vector<256x1xi32>
    %jit3A_407 = arith.constant 0 : i32
    %broadcast_in_dim3A_408 = vector.broadcast %jit3A_407 : i32 to vector<256x1xi32>
    %select_n3A_409 = arith.select %and3A_324, %add3A_406, %broadcast_in_dim3A_408 : vector<256x1xi1>, vector<256x1xi32>
    %jit3A_410 = arith.constant 0.000000e+00 : f32
    %broadcast_in_dim3A_411 = vector.broadcast %jit3A_410 : f32 to vector<256x1xf32>
    %select_n3A_412 = arith.select %gt3A_63, %div3A_342, %broadcast_in_dim3A_411 : vector<256x1xi1>, vector<256x1xf32>
    %jit3A_413 = arith.constant 0.000000e+00 : f32
    %broadcast_in_dim3A_414 = vector.broadcast %jit3A_413 : f32 to vector<256x1xf32>
    %select_n3A_415 = arith.select %gt3A_82, %div3A_342, %broadcast_in_dim3A_414 : vector<256x1xi1>, vector<256x1xf32>
    %jit3A_416 = arith.constant 0.000000e+00 : f32
    %broadcast_in_dim3A_417 = vector.broadcast %jit3A_416 : f32 to vector<256x1xf32>
    %select_n3A_418 = arith.select %gt3A_101, %div3A_342, %broadcast_in_dim3A_417 : vector<256x1xi1>, vector<256x1xf32>
    %jit3A_419 = arith.constant 0.000000e+00 : f32
    %broadcast_in_dim3A_420 = vector.broadcast %jit3A_419 : f32 to vector<256x1xf32>
    %select_n3A_421 = arith.select %gt3A_120, %div3A_342, %broadcast_in_dim3A_420 : vector<256x1xi1>, vector<256x1xf32>
    %jit3A_422 = arith.constant 0.000000e+00 : f32
    %broadcast_in_dim3A_423 = vector.broadcast %jit3A_422 : f32 to vector<256x1xf32>
    %select_n3A_424 = arith.select %gt3A_139, %div3A_342, %broadcast_in_dim3A_423 : vector<256x1xi1>, vector<256x1xf32>
    %jit3A_425 = arith.constant 0.000000e+00 : f32
    %broadcast_in_dim3A_426 = vector.broadcast %jit3A_425 : f32 to vector<256x1xf32>
    %select_n3A_427 = arith.select %gt3A_158, %div3A_342, %broadcast_in_dim3A_426 : vector<256x1xi1>, vector<256x1xf32>
    %jit3A_428 = arith.constant 0.000000e+00 : f32
    %broadcast_in_dim3A_429 = vector.broadcast %jit3A_428 : f32 to vector<256x1xf32>
    %select_n3A_430 = arith.select %gt3A_177, %div3A_342, %broadcast_in_dim3A_429 : vector<256x1xi1>, vector<256x1xf32>
    %jit3A_431 = arith.constant 0.000000e+00 : f32
    %broadcast_in_dim3A_432 = vector.broadcast %jit3A_431 : f32 to vector<256x1xf32>
    %select_n3A_433 = arith.select %gt3A_196, %div3A_342, %broadcast_in_dim3A_432 : vector<256x1xi1>, vector<256x1xf32>
    %jit3A_434 = arith.constant 0.000000e+00 : f32
    %broadcast_in_dim3A_435 = vector.broadcast %jit3A_434 : f32 to vector<256x1xf32>
    %select_n3A_436 = arith.select %and3A, %div3A_349, %broadcast_in_dim3A_435 : vector<256x1xi1>, vector<256x1xf32>
    %jit3A_437 = arith.constant 0.000000e+00 : f32
    %broadcast_in_dim3A_438 = vector.broadcast %jit3A_437 : f32 to vector<256x1xf32>
    %select_n3A_439 = arith.select %and3A_280, %div3A_349, %broadcast_in_dim3A_438 : vector<256x1xi1>, vector<256x1xf32>
    %jit3A_440 = arith.constant 0.000000e+00 : f32
    %broadcast_in_dim3A_441 = vector.broadcast %jit3A_440 : f32 to vector<256x1xf32>
    %select_n3A_442 = arith.select %and3A_303, %div3A_349, %broadcast_in_dim3A_441 : vector<256x1xi1>, vector<256x1xf32>
    %jit3A_443 = arith.constant 0.000000e+00 : f32
    %broadcast_in_dim3A_444 = vector.broadcast %jit3A_443 : f32 to vector<256x1xf32>
    %select_n3A_445 = arith.select %and3A_324, %div3A_349, %broadcast_in_dim3A_444 : vector<256x1xi1>, vector<256x1xf32>
    %broadcast_in_dim3A_446 = arith.constant 0 : i32
    %broadcast_in_dim3A_447 = vector.broadcast %broadcast_in_dim3A_446 : i32 to vector<256x1xi32>
    %broadcast_in_dim3A_448 = arith.constant 0.000000e+00 : f32
    %broadcast_in_dim3A_449 = vector.broadcast %broadcast_in_dim3A_448 : f32 to vector<256x1xf32>
    %concatenate3A = tpu.concatenate %select_n3A_354, %select_n3A_359, %select_n3A_364, %select_n3A_369, %select_n3A_374, %select_n3A_379, %select_n3A_384, %select_n3A_389, %select_n3A_394, %select_n3A_399, %select_n3A_404, %select_n3A_409, %broadcast_in_dim3A_447, %broadcast_in_dim3A_447, %broadcast_in_dim3A_447, %broadcast_in_dim3A_447 in 1 : vector<256x1xi32>, vector<256x1xi32>, vector<256x1xi32>, vector<256x1xi32>, vector<256x1xi32>, vector<256x1xi32>, vector<256x1xi32>, vector<256x1xi32>, vector<256x1xi32>, vector<256x1xi32>, vector<256x1xi32>, vector<256x1xi32>, vector<256x1xi32>, vector<256x1xi32>, vector<256x1xi32>, vector<256x1xi32> -> vector<256x16xi32>
    %swap3A = arith.constant 0 : index
    %swap3A_450 = arith.constant 0 : index
    %swap3A_451 = arith.constant 0 : index
    %swap3A_452 = vector.load %arg4[%swap3A, %swap3A_450, %swap3A_451] : memref<1x256x16xi32, #tpu.memory_space<vmem>>, vector<1x256x16xi32>
    %swap3A_453 = vector.shape_cast %swap3A_452 : vector<1x256x16xi32> to vector<256x16xi32>
    %swap3A_454 = vector.shape_cast %concatenate3A : vector<256x16xi32> to vector<1x256x16xi32>
    tpu.vector_store %arg4[%swap3A, %swap3A_450, %swap3A_451], %swap3A_454 {strides = array<i32>} : memref<1x256x16xi32, #tpu.memory_space<vmem>>, vector<1x256x16xi32>,
    %concatenate3A_455 = tpu.concatenate %select_n3A_412, %select_n3A_415, %select_n3A_418, %select_n3A_421, %select_n3A_424, %select_n3A_427, %select_n3A_430, %select_n3A_433, %select_n3A_436, %select_n3A_439, %select_n3A_442, %select_n3A_445, %broadcast_in_dim3A_449, %broadcast_in_dim3A_449, %broadcast_in_dim3A_449, %broadcast_in_dim3A_449 in 1 : vector<256x1xf32>, vector<256x1xf32>, vector<256x1xf32>, vector<256x1xf32>, vector<256x1xf32>, vector<256x1xf32>, vector<256x1xf32>, vector<256x1xf32>, vector<256x1xf32>, vector<256x1xf32>, vector<256x1xf32>, vector<256x1xf32>, vector<256x1xf32>, vector<256x1xf32>, vector<256x1xf32>, vector<256x1xf32> -> vector<256x16xf32>
    %swap3A_456 = arith.constant 0 : index
    %swap3A_457 = arith.constant 0 : index
    %swap3A_458 = arith.constant 0 : index
    %swap3A_459 = vector.load %arg5[%swap3A_456, %swap3A_457, %swap3A_458] : memref<1x256x16xf32, #tpu.memory_space<vmem>>, vector<1x256x16xf32>
    %swap3A_460 = vector.shape_cast %swap3A_459 : vector<1x256x16xf32> to vector<256x16xf32>
    %swap3A_461 = vector.shape_cast %concatenate3A_455 : vector<256x16xf32> to vector<1x256x16xf32>
    tpu.vector_store %arg5[%swap3A_456, %swap3A_457, %swap3A_458], %swap3A_461 {strides = array<i32>} : memref<1x256x16xf32, #tpu.memory_space<vmem>>, vector<1x256x16xf32>,
    return
  }
  func.func @transform_0(%arg0: i32, %arg1: i32) -> i32 {
    %c0_i32 = arith.constant 0 : i32
    %c0_i32_0 = arith.constant 0 : i32
    return %c0_i32 : i32
  }
  func.func @transform_1(%arg0: i32, %arg1: i32) -> (i32, i32, i32) {
    %c0_i32 = arith.constant 0 : i32
    %c0_i32_0 = arith.constant 0 : i32
    %c0_i32_1 = arith.constant 0 : i32
    return %arg0, %c0_i32, %c0_i32_0 : i32, i32, i32
  }
  func.func @transform_2(%arg0: i32, %arg1: i32) -> (i32, i32, i32) {
    %c0_i32 = arith.constant 0 : i32
    %c0_i32_0 = arith.constant 0 : i32
    return %arg0, %arg1, %c0_i32 : i32, i32, i32
  }
  func.func @transform_3(%arg0: i32, %arg1: i32) -> (i32, i32, i32) {
    %c0_i32 = arith.constant 0 : i32
    %c0_i32_0 = arith.constant 0 : i32
    return %arg0, %arg1, %c0_i32 : i32, i32, i32
  }
}

module attributes {stable_mosaic.version = 14 : i64} {
  func.func @_norm_body(%arg0: i32, %arg1: memref<256x2048xf32, #tpu.memory_space<vmem>>, %arg2: memref<256x2048xbf16, #tpu.memory_space<vmem>>) attributes {dimension_semantics = [#tpu.dimension_semantics<arbitrary>], iteration_bounds = array<i64: 16>, scalar_prefetch = 0 : i64, scratch_operands = 0 : i64, tpu.core_type = #tpu.core_type<tc>, window_params = [{transform_indices = @transform_0, window_bounds = array<i64: 256, 2048>}, {transform_indices = @transform_1, window_bounds = array<i64: 256, 2048>}]} {
    %get3A = arith.constant 0 : index
    %get3A_0 = arith.constant 0 : index
    %get3A_1 = vector.load %arg1[%get3A, %get3A_0] : memref<256x2048xf32, #tpu.memory_space<vmem>>, vector<256x2048xf32>
    %mul3A = arith.mulf %get3A_1, %get3A_1 : vector<256x2048xf32>
    %reduce_sum3A = arith.constant dense<0.000000e+00> : vector<256xf32>
    %reduce_sum3A_2 = vector.multi_reduction <add>, %mul3A, %reduce_sum3A [1] : vector<256x2048xf32> to vector<256xf32>
    %broadcast_in_dim3A = vector.shape_cast %reduce_sum3A_2 : vector<256xf32> to vector<256x1xf32>
    %sqrt3A = math.sqrt %broadcast_in_dim3A : vector<256x1xf32>
    %max3A = arith.constant 9.99999996E-13 : f32
    %max3A_3 = vector.broadcast %max3A : f32 to vector<256x1xf32>
    %max3A_4 = arith.maximumf %sqrt3A, %max3A_3 : vector<256x1xf32>
    %div3A = vector.broadcast %max3A_4 : vector<256x1xf32> to vector<256x2048xf32>
    %div3A_5 = arith.divf %get3A_1, %div3A : vector<256x2048xf32>
    %convert_element_type3A = arith.truncf %div3A_5 : vector<256x2048xf32> to vector<256x2048xbf16>
    %swap3A = arith.constant 0 : index
    %swap3A_6 = arith.constant 0 : index
    %swap3A_7 = vector.load %arg2[%swap3A, %swap3A_6] : memref<256x2048xbf16, #tpu.memory_space<vmem>>, vector<256x2048xbf16>
    tpu.vector_store %arg2[%swap3A, %swap3A_6], %convert_element_type3A {strides = array<i32>} : memref<256x2048xbf16, #tpu.memory_space<vmem>>, vector<256x2048xbf16>,
    return
  }
  func.func @transform_0(%arg0: i32) -> (i32, i32) {
    %c0_i32 = arith.constant 0 : i32
    %c0_i32_0 = arith.constant 0 : i32
    return %arg0, %c0_i32 : i32, i32
  }
  func.func @transform_1(%arg0: i32) -> (i32, i32) {
    %c0_i32 = arith.constant 0 : i32
    %c0_i32_0 = arith.constant 0 : i32
    return %arg0, %c0_i32 : i32, i32
  }
}

module attributes {stable_mosaic.version = 14 : i64} {
  func.func @_epi_body(%arg0: i32, %arg1: memref<3xf32, #tpu.memory_space<smem>>, %arg2: memref<1x2048xf32, #tpu.memory_space<vmem>>, %arg3: memref<1x2048xf32, #tpu.memory_space<vmem>>, %arg4: memref<256x2048xf32, #tpu.memory_space<vmem>>, %arg5: memref<256x2048xf32, #tpu.memory_space<vmem>>, %arg6: memref<256x2048xf32, #tpu.memory_space<vmem>>) attributes {dimension_semantics = [#tpu.dimension_semantics<arbitrary>], iteration_bounds = array<i64: 16>, scalar_prefetch = 0 : i64, scratch_operands = 0 : i64, tpu.core_type = #tpu.core_type<tc>, window_params = [{transform_indices = @transform_0, window_bounds = array<i64: 3>}, {pipeline_mode = #tpu.pipeline_mode<synchronous>, transform_indices = @transform_1, window_bounds = array<i64: 1, 2048>}, {pipeline_mode = #tpu.pipeline_mode<synchronous>, transform_indices = @transform_2, window_bounds = array<i64: 1, 2048>}, {transform_indices = @transform_3, window_bounds = array<i64: 256, 2048>}, {transform_indices = @transform_4, window_bounds = array<i64: 256, 2048>}, {transform_indices = @transform_5, window_bounds = array<i64: 256, 2048>}]} {
    %get3A = arith.constant 0 : index
    %get3A_0 = memref.load %arg1[%get3A] : memref<3xf32, #tpu.memory_space<smem>>
    %get3A_1 = arith.constant 2 : index
    %get3A_2 = memref.load %arg1[%get3A_1] : memref<3xf32, #tpu.memory_space<smem>>
    %get3A_3 = arith.constant 0 : index
    %get3A_4 = arith.constant 0 : index
    %get3A_5 = vector.load %arg4[%get3A_3, %get3A_4] : memref<256x2048xf32, #tpu.memory_space<vmem>>, vector<256x2048xf32>
    %mul3A = vector.broadcast %get3A_0 : f32 to vector<256x2048xf32>
    %mul3A_6 = arith.mulf %mul3A, %get3A_5 : vector<256x2048xf32>
    %sub3A = arith.constant 1.000000e+00 : f32
    %sub3A_7 = arith.subf %sub3A, %get3A_0 : f32
    %get3A_8 = arith.constant 0 : index
    %get3A_9 = arith.constant 0 : index
    %get3A_10 = vector.load %arg5[%get3A_8, %get3A_9] : memref<256x2048xf32, #tpu.memory_space<vmem>>, vector<256x2048xf32>
    %mul3A_11 = vector.broadcast %sub3A_7 : f32 to vector<256x2048xf32>
    %mul3A_12 = arith.mulf %mul3A_11, %get3A_10 : vector<256x2048xf32>
    %add3A = arith.addf %mul3A_6, %mul3A_12 : vector<256x2048xf32>
    %get3A_13 = arith.constant 0 : index
    %get3A_14 = arith.constant 0 : index
    %get3A_15 = vector.load %arg2[%get3A_13, %get3A_14] : memref<1x2048xf32, #tpu.memory_space<vmem>>, vector<1x2048xf32>
    %mul3A_16 = vector.broadcast %get3A_15 : vector<1x2048xf32> to vector<256x2048xf32>
    %mul3A_17 = arith.mulf %add3A, %mul3A_16 : vector<256x2048xf32>
    %get3A_18 = arith.constant 0 : index
    %get3A_19 = arith.constant 0 : index
    %get3A_20 = vector.load %arg3[%get3A_18, %get3A_19] : memref<1x2048xf32, #tpu.memory_space<vmem>>, vector<1x2048xf32>
    %add3A_21 = vector.broadcast %get3A_20 : vector<1x2048xf32> to vector<256x2048xf32>
    %add3A_22 = arith.addf %mul3A_17, %add3A_21 : vector<256x2048xf32>
    %mul3A_23 = arith.constant 5.000000e-01 : f32
    %mul3A_24 = vector.broadcast %mul3A_23 : f32 to vector<256x2048xf32>
    %mul3A_25 = arith.mulf %mul3A_24, %add3A_22 : vector<256x2048xf32>
    %mul3A_26 = arith.constant 0.707106769 : f32
    %mul3A_27 = vector.broadcast %mul3A_26 : f32 to vector<256x2048xf32>
    %mul3A_28 = arith.mulf %add3A_22, %mul3A_27 : vector<256x2048xf32>
    %erf3A = math.erf %mul3A_28 : vector<256x2048xf32>
    %add3A_29 = arith.constant 1.000000e+00 : f32
    %add3A_30 = vector.broadcast %add3A_29 : f32 to vector<256x2048xf32>
    %add3A_31 = arith.addf %add3A_30, %erf3A : vector<256x2048xf32>
    %mul3A_32 = arith.mulf %mul3A_25, %add3A_31 : vector<256x2048xf32>
    %mul3A_33 = vector.broadcast %get3A_2 : f32 to vector<256x2048xf32>
    %mul3A_34 = arith.mulf %mul3A_32, %mul3A_33 : vector<256x2048xf32>
    %swap3A = arith.constant 0 : index
    %swap3A_35 = arith.constant 0 : index
    %swap3A_36 = vector.load %arg6[%swap3A, %swap3A_35] : memref<256x2048xf32, #tpu.memory_space<vmem>>, vector<256x2048xf32>
    tpu.vector_store %arg6[%swap3A, %swap3A_35], %mul3A_34 {strides = array<i32>} : memref<256x2048xf32, #tpu.memory_space<vmem>>, vector<256x2048xf32>,
    return
  }
  func.func @transform_0(%arg0: i32) -> i32 {
    %c0_i32 = arith.constant 0 : i32
    %c0_i32_0 = arith.constant 0 : i32
    return %c0_i32 : i32
  }
  func.func @transform_1(%arg0: i32) -> (i32, i32) {
    %c0_i32 = arith.constant 0 : i32
    %c0_i32_0 = arith.constant 0 : i32
    %c0_i32_1 = arith.constant 0 : i32
    return %c0_i32, %c0_i32_0 : i32, i32
  }
  func.func @transform_2(%arg0: i32) -> (i32, i32) {
    %c0_i32 = arith.constant 0 : i32
    %c0_i32_0 = arith.constant 0 : i32
    %c0_i32_1 = arith.constant 0 : i32
    return %c0_i32, %c0_i32_0 : i32, i32
  }
  func.func @transform_3(%arg0: i32) -> (i32, i32) {
    %c0_i32 = arith.constant 0 : i32
    %c0_i32_0 = arith.constant 0 : i32
    return %arg0, %c0_i32 : i32, i32
  }
  func.func @transform_4(%arg0: i32) -> (i32, i32) {
    %c0_i32 = arith.constant 0 : i32
    %c0_i32_0 = arith.constant 0 : i32
    return %arg0, %c0_i32 : i32, i32
  }
  func.func @transform_5(%arg0: i32) -> (i32, i32) {
    %c0_i32 = arith.constant 0 : i32
    %c0_i32_0 = arith.constant 0 : i32
    return %arg0, %c0_i32 : i32, i32
  }
}

</mosaic_0001>

<sc_bundles>
// kernel: kernel.6.cloned.1.call-start
scs
__scs_entry_jumppad:
0x0: {  	(pc) =	sbr.rel $0x88, $3  }
0x1: {  	(tag) =	ssettag $0x0;
	lr =	simm.s32 $0x1  }
0x2: {  	[smem:$0x3F9B] =	sst lr;
	_ =	strace $0xD0000000  }
0x3: {  	_ = 	snop  }
0x4: {  	_ = 	snop  }
0x5: {  	_ = 	snop  }
0x6: {  	_ = 	snop  }
0x7: {  	_ = 	snop  }
__scs_overlays_trampoline_lowered:
0x8: {  	[smem:$0x3FAA] =	sst s0  }
0x9: {  	[smem:$0x3FAB] =	sst s1  }
0xa: {  	[smem:$0x3FAC] =	sst s2  }
0xb: {  	[smem:$0x3FAD] =	sst s3  }
0xc: {  	[smem:$0x3FAE] =	sst s4  }
0xd: {  	[smem:$0x3FAF] =	sst s5  }
0xe: {  	[smem:$0x3FB0] =	sst s6  }
0xf: {  	[smem:$0x3FB1] =	sst s7  }
0x10: {  	[smem:$0x3FB2] =	sst s8  }
0x11: {  	[smem:$0x3FB3] =	sst s9;
	s0 =	simm.s32 @!p0 $0x0  }
0x12: {  	s1 =	sld [smem:$0x3F99];
	s0 =	simm.s32 @p0 $0x1  }
0x13: {  	[smem:$0x3FB4] =	sst s0;
	s0 =	simm.s32 @!p1 $0x0  }
0x14: {  	s2 =	sld [smem:$0x3F98];
	s0 =	simm.s32 @p1 $0x1  }
0x15: {  	[smem:$0x3FB5] =	sst s0;
	s0 =	simm.s32 @!p2 $0x0  }
0x16: {  	s3 =	sld [smem:$0x3FDB];
	s0 =	simm.s32 @p2 $0x1  }
0x17: {  	s4 =	simm.s32 $0x1BF5;
	[smem:$0x3FB7] =	sst s0  }
0x18: {  	s0 =	sld [smem:$0x3F9A];
	_ =	swait.ge [sflag:s4], $0x0  }
0x19: {  	s7 =	sld [smem:$0x3F9B]  }
0x1a: {  	s8 =	sadd.s32 $0xFFFFE003, lr  }
0x1b: {  	s9 =	sadd.s32 $0xFFFFFEF7, lr;
	s5 =	simm.s32 $0xFFFFFFFF;
	p2 =	slt.u32 s8, $0xFFFFF086  }
0x1c: {  	p1 =	slt.u32 s9, $0xF7A;
	s5 =	simm.s32 @!p2 $0x0  }
0x1d: {  	s5 =	simm.s32 @p1 $0x1;
	p0 =	seq.s32 s7, s2  }
0x1e: {  	s7 =	smul.u32 @!p0 $0xF7A, s2;
	p2 =	seq.s32 @!p0 s5, $0x0  }
0x1f: {  	s9 =	smul.u32 $0xF7A, s1;
	s8 =	simm.s32 @!p0 $0x1BF5;
	p2 =	por !p2, p0  }
0x20: {  	[sflag:s8] =	ssyncset.s32 @!p0 $0xFFFFF086;
	s6 =	sadd.s32 @!p0 s3, s7;
	s7 =	simm.s32 @!p0 $0x108  }
0x21: {  	s3 =	sadd.s32 s3, s9;
	s6 =	sadd.s32 @!p0 $0x88, s6;
	s7 =	simm.s32 @p2 $0x1082  }
0x22: {  	[simem:s7], [sflag:s8] =	dma.local @!p0 [hbm:s6], $0xF7A  }
0x23: {  	s9 =	sor.u32 $0xD0000000, s2;
	s6 =	simm.s32 $0x108;
	_ =	swait.ge @!p0 [sflag:s8], $0x0  }
0x24: {  	s3 =	sadd.s32 $0x88, s3;
	s6 =	simm.s32 @!p1 $0x1082;
	[sflag:s4] =	ssyncset.s32 $0xFFFFF086  }
0x25: {  	[simem:s6], [sflag:s4] =	dma.local [hbm:s3], $0xF7A  }
0x26: {  	[smem:$0x3F9B] =	sst s1;
	(tag) =	ssettag s2;
	_ =	strace s9  }
0x27: {  	s1 =	sld [smem:$0x3FAB]  }
0x28: {  	s2 =	sld [smem:$0x3FAC]  }
0x29: {  	s4 =	sld [smem:$0x3FAE]  }
0x2a: {  	p0 =	seq.s32 s5, $0x0;
	s5 =	sld [smem:$0x3FAF]  }
0x2b: {  	s6 =	sld [smem:$0x3FB0]  }
0x2c: {  	s7 =	sld [smem:$0x3FB1]  }
0x2d: {  	s3 =	simm.s32 $0x108;
	s8 =	sld [smem:$0x3FB2]  }
0x2e: {  	s3 =	simm.s32 @!p0 $0x1082;
	s9 =	sld [smem:$0x3FB3]  }
0x2f: {  	lr =	sadd.s32 s0, s3;
	s0 =	sld [smem:$0x3FAA]  }
0x30: {  	s3 =	sld [smem:$0x3FAD]  }
0x31: {  	[smem:$0x3FB6] =	sst s10  }
0x32: {  	s10 =	sld [smem:$0x3FB4];
	_ =	sdelay $0x3  }
0x33: {  	p0 =	seq.s32 s10, $0x1;
	s10 =	sld [smem:$0x3FB6];
	_ =	sdelay $0x3  }
0x34: {  	[smem:$0x3FB6] =	sst s10  }
0x35: {  	s10 =	sld [smem:$0x3FB5];
	_ =	sdelay $0x3  }
0x36: {  	p1 =	seq.s32 s10, $0x1;
	s10 =	sld [smem:$0x3FB6];
	_ =	sdelay $0x3  }
0x37: {  	[smem:$0x3FB6] =	sst s10  }
0x38: {  	s10 =	sld [smem:$0x3FB7]  }
0x39: {  	_ = 	snop;
	(pc) =	sbr.ind lr, $3  }
0x3a: {  	_ = 	snop  }
0x3b: {  	_ = 	snop  }
0x3c: {  	p2 =	seq.s32 s10, $0x1;
	s10 =	sld [smem:$0x3FB6]  }
0x3d: {  	_ =	shalt  }
0x3e: {  	_ =	shalt  }
0x3f: {  	_ =	shalt  }
0x40: {  	_ =	shalt  }
0x41: {  	_ =	shalt  }
0x42: {  	_ =	shalt  }
0x43: {  	_ =	shalt  }
0x44: {  	_ =	shalt  }
0x45: {  	_ =	shalt  }
0x46: {  	_ =	shalt  }
0x47: {  	_ =	shalt  }
0x48: {  	_ =	shalt  }
0x49: {  	_ =	shalt  }
0x4a: {  	_ =	shalt  }
0x4b: {  	_ =	shalt  }
0x4c: {  	_ =	shalt  }
0x4d: {  	_ =	shalt  }
0x4e: {  	_ =	shalt  }
0x4f: {  	_ =	shalt  }
0x50: {  	_ =	shalt  }
0x51: {  	_ =	shalt  }
0x52: {  	_ =	shalt  }
0x53: {  	_ =	shalt  }
0x54: {  	_ =	shalt  }
0x55: {  	_ =	shalt  }
0x56: {  	_ =	shalt  }
0x57: {  	_ =	shalt  }
0x58: {  	_ =	shalt  }
0x59: {  	_ =	shalt  }
0x5a: {  	_ =	shalt  }
0x5b: {  	_ =	shalt  }
0x5c: {  	_ =	shalt  }
0x5d: {  	_ =	shalt  }
0x5e: {  	_ =	shalt  }
0x5f: {  	_ =	shalt  }
0x60: {  	_ =	shalt  }
0x61: {  	_ =	shalt  }
0x62: {  	_ =	shalt  }
0x63: {  	_ =	shalt  }
0x64: {  	_ =	shalt  }
0x65: {  	_ =	shalt  }
0x66: {  	_ =	shalt  }
0x67: {  	_ =	shalt  }
0x68: {  	_ =	shalt  }
0x69: {  	_ =	shalt  }
0x6a: {  	_ =	shalt  }
0x6b: {  	_ =	shalt  }
0x6c: {  	_ =	shalt  }
0x6d: {  	_ =	shalt  }
0x6e: {  	_ =	shalt  }
0x6f: {  	_ =	shalt  }
0x70: {  	_ =	shalt  }
0x71: {  	_ =	shalt  }
0x72: {  	_ =	shalt  }
0x73: {  	_ =	shalt  }
0x74: {  	_ =	shalt  }
0x75: {  	_ =	shalt  }
0x76: {  	_ =	shalt  }
0x77: {  	_ =	shalt  }
0x78: {  	_ =	shalt  }
0x79: {  	_ =	shalt  }
0x7a: {  	_ =	shalt  }
0x7b: {  	_ =	shalt  }
0x7c: {  	_ =	shalt  }
0x7d: {  	_ =	shalt  }
0x7e: {  	_ =	shalt  }
0x7f: {  	_ =	shalt  }
0x80: {  	_ =	shalt  }
0x81: {  	_ =	shalt  }
0x82: {  	_ =	shalt  }
0x83: {  	_ =	shalt  }
0x84: {  	_ =	shalt  }
0x85: {  	_ =	shalt  }
0x86: {  	_ =	shalt  }
0x87: {  	_ =	shalt  }
.Lfunc_end0:
.L_simem_size_0:
called_computation_lowered:
.L_overlay_start_0:
0x88: {  	s2 =	sld [smem:$0x3FD9]  }
0x89: {  	s3 =	sld [smem:$0x3FFE];
	_ =	sdelay $0x1  }
0x8a: {  	s1 =	srdreg.scid  }
0x8b: {  	s0 =	sand.u32 $0x1, s1  }
0x8c: {  	s17 =	sshll.u32 s0, $0xA;
	s2 =	sadd.s32 s3, s2  }
0x8d: {  	s2 =	sadd.s32 s2, s17  }
0x8e: {  	[smem:$0x3FC2] =	sst s2  }
0x8f: {  	_ = 	snop  }
0x90: {  	s2 =	sld [smem:$0x3FC9]  }
0x91: {  	s18 =	sld [smem:$0x3FD0];
	(tm) =	ssettm $0x1  }
0x92: {  	s4 =	sld [smem:$0x3FFB];
	_ =	sdelay $0x3  }
0x93: {  	_ =	strace s4  }
0x94: {  	s4 =	sld [smem:$0x3FFC];
	_ =	sdelay $0x3  }
0x95: {  	_ =	strace s4  }
0x96: {  	s4 =	sld [smem:$0x3FFD];
	_ =	sdelay $0x3  }
0x97: {  	_ =	strace s4  }
0x98: {  	_ =	strace $0x8FFFFFFF  }
0x99: {  	s19 =	sld [smem:$0x3FDB];
	_ =	sdelay $0x1  }
0x9a: {  	s5 =	simm.s32 $_scs_section_size  }
0x9b: {  	s6 =	simm.s32 $_size__tile_overlayer_lowered;
	s7 =	simm.s32 $_tile_overlayer_lowered  }
0x9c: {  	s22 =	simm.s32 $0x1BFF;
	s21 =	sshll.u32 s7, $0x1;
	s4 =	sadd.s32 s5, s19  }
0x9d: {  	s8 =	simm.s32 $0x0;
	s20 =	sshll.u32 s6, $0x1;
	s6 =	sadd.s32 s21, s4  }
0x9e: {  	[timem:s8], [sflag:s22] =	dma.local [hbm:s6], s20  }
0x9f: {  	_ =	swait.ge [sflag:s22], s20  }
0xa0: {  	s5 =	ssub.s32 $0x0, s20;
	[sflag:s22] =	ssyncset.done $0x0  }
0xa1: {  	[sflag:s22] =	ssyncadd.s32 s5;
	_ =	sdelay $0x1  }
0xa2: {  	s23 =	simm.s32 $0x1B8B  }
0xa3: {  	_ =	swait.ge [sflag:s23], $0x1  }
0xa4: {  	[sflag:s23] =	ssyncset.done $0x0  }
0xa5: {  	s25 =	simm.s32 $0x1B8E;
	s24 =	sld [smem:$0x3FFE];
	[sflag:s23] =	ssyncadd.s32 $0xFFFFFFFF  }
0xa6: {  	s26 =	simm.s32 $execute0_lowered;
	[smem:$0x3FD2] =	sst s25  }
0xa7: {  	s6 =	sshll.u32 s26, $0x1;
	_ =	strace $0x80000046;
	[dreg:$0x1] =	wrdreg $0xFFFFFFFF  }
0xa8: {  	s28 =	simm.s32 $_size_execute0_lowered;
	s4 =	sadd.s32 s4, s6;
	[dreg:$0x0] =	wrdreg $0x0  }
0xa9: {  	s6 =	sshll.u32 s28, $0x1;
	[dreg:$0x2] =	wrdreg s4  }
0xaa: {  	[dreg:$0x3] =	wrdreg s6  }
0xab: {  	[dreg:$0x4] =	wrdreg $0xC0  }
0xac: {  	_ =	task [dreg:s8], $0x5FFFF  }
0xad: {  	[dreg:$0x1] =	wrdreg $0xFFFFFFFF  }
0xae: {  	[dreg:$0x0] =	wrdreg $0x60  }
0xaf: {  	[dreg:$0x2] =	wrdreg s2  }
0xb0: {  	[dreg:$0x3] =	wrdreg s24  }
0xb1: {  	[dreg:$0x4] =	wrdreg s18  }
0xb2: {  	[dreg:$0x5] =	wrdreg $0x9  }
0xb3: {  	_ =	task.clear_ibuf [dreg:s8], $0x6FFFF;
	_ =	strace $0x90000046  }
0xb4: {  	s29 =	simm.s32 $0x9;
	_ =	strace $0x80000048  }
0xb5: {  	_ =	swait.ge [sflag:s29], $0x1  }
0xb6: {  	[sflag:s29] =	ssyncadd.s32 $0xFFFFFFFF  }
0xb7: {  	_ =	strace $0x90000048  }
0xb8: {  	_ =	sfence  }
0xb9: {  	s30 =	sld [smem:$0x0];
	_ =	sdelay $0x2  }
0xba: {  	s31 =	sshll.u32 s1, $0xD;
	s1 =	sshrl.u32 s1, $0x2  }
0xbb: {  	s3 =	sand.u32 $0x4000, s31;
	s1 =	sadd.s32 s1, s30  }
0xbc: {  	s0 =	sor.u32 s3, s0;
	s1 =	sshll.u32 s1, $0x11  }
0xbd: {  	s0 =	sor.u32 s1, s0  }
0xbe: {  	s0 =	sadd.s32 $0x8F2B, s0  }
0xbf: {  	[sflag:s0] =	ssyncadd.remote.s32 $0x1  }
0xc0: {  	_ =	sfence.sel $0xFFFF  }
0xc1: {  	[dreg:$0x0] =	wrdreg $0xFFFFFFFF;
	(pc) =	sbr.abs _section_cstart, $3  }
0xc2: {  	[dreg:$0x1] =	wrdreg $0xFFFFFFFF  }
0xc3: {  	_ =	task.clear_ibuf [dreg:s8], $0x2FFFF;
	_ =	strace $0x9FFFFFFF  }
0xc4: {  	(tm) =	ssettm $0x7FFFFFFF  }
0xc5: {  	_ =	shalt  }
tec
execute0_lowered:
.L_overlay_start_1:
0x0: {  	(tag) =	ssettag $0x1  }
0x1: {  	s1 =	rddreg [dreg:$0x0]  }
0x2: {  	s0 =	rddreg [dreg:$0x1];
	s17 =	simm.s32 $0x0;
	s2 =	srdreg.scid  }
0x3: {  	s4 =	stileid.u32;
	s16 =	simm.s32 $0x2;
	s24 =	simm.s32 $0xC880  }
0x4: {  	s25 =	simm.s32 $0xD080;
	s28 =	simm.s32 $0xE080;
	s29 =	simm.s32 $0xE880  }
0x5: {  	s30 =	simm.s32 $0xF080;
	s31 =	simm.s32 $0xF880;
	s15 =	simm.s32 $0x400  }
0x6: {  	[smem:$0x7FF] =	sst s17;
	s5 =	sadd.s32 $0xA00, s0;
	s2 =	sand.u32 $0x1, s2  }
0x7: {  	s6 =	sadd.s32 $0x2A00, s0;
	s4 =	sshll.u32 s4, $0x8;
	s8 =	sadd.s32 $0x100, s1  }
0x8: {  	s9 =	sadd.s32 $0x200, s1;
	s10 =	sadd.s32 $0x300, s1;
	s11 =	sadd.s32 $0x400, s1  }
0x9: {  	s12 =	sadd.s32 $0x500, s1;
	s13 =	sadd.s32 $0x600, s1;
	s26 =	ssub.s32 $0x2, s2  }
0xa: {  	s14 =	sadd.s32 $0x700, s1;
	s2 =	sshll.u32 s2, $0x7;
	s3 =	sshrl.u32 s26, $0x1  }
0xb: {  	v2 =	vlaneseq.u32;
	_ =	strace $0x80000047;
	s7 =	sor.u32 s2, s4;
	s0 =	ssub.s32 s26, s3  }
0xc: {  	vm0 =	vmmov $0xffff;
	v1 =	vshrl.u32 v2, $0x3;
	s4 =	simm.s32 $0x100;
	s26 =	simm.s32 $0xD880;
	s0 =	smax.u32 s0, $0x1  }
0xd: {  	v0 =	vand.u32 $0x7, v2;
	v2 =	vor.u32 $0x8, v2;
	v1 =	vmul.u32 $0x8, v1;
	s3 =	simm.s32 $0x11080;
	[dreg:$0x5] =	wrdreg s0;
	s0 =	simm.s32 $0x1  }
.LBB2_1:
0xe: {  	[dreg:$0x4] =	wrdreg s17;
	s2 =	simm.s32 $0x0  }
.LBB2_2:
0xf: {  	s17 =	sshll.u32 s2, $0x1  }
0x10: {  	s17 =	sadd.s32 s7, s17  }
0x11: {  	s18 =	sshll.u32 s17, $0x1  }
0x12: {  	s19 =	sadd.s32 s5, s18;
	s18 =	simm.s32 $0x0  }
0x13: {  	[tilespmem:s18], [sflag:$0x2] =	stream.linear.gather [hbm4b:s19+s18], $0x20, $0x38;
	[tilespmem:$0x12080] =	vst v63  }
0x14: {  	_ =	swait.ge [sflag:s16], $0x20  }
0x15: {  	[sflag:s16] =	ssyncset.done $0x0  }
0x16: {  	[sflag:s16] =	ssyncadd.s32 $0xFFFFFFE0  }
0x17: {  	s17 =	sshll.u32 s17, $0x8;
	s22 =	rddreg [dreg:$0x2]  }
0x18: {  	s20 =	simm.s32 $0x10080;
	s19 =	sadd.s32 s22, s17  }
0x19: {  	[tilespmem:s20], [sflag:$0x2] =	stream.linear.gather [hbm4b:s19+s18], $0x1000, $0x38;
	[tilespmem:$0x12080] =	vst v63  }
0x1a: {  	_ =	swait.ge [sflag:s16], $0x1000  }
0x1b: {  	[sflag:s16] =	ssyncset.done $0x0  }
0x1c: {  	[sflag:s16] =	ssyncadd.s32 $0xFFFFF000  }
0x1d: {  	v3 =	vld [tilespmem:$0x0];
	_ =	sdelay $0x4  }
0x1e: {  	v4 =	vshll.u32 v3, $0x4  }
0x1f: {  	v3 =	vand.u32 $0x7, v3;
	v4 =	vand.u32 $0xFFFFFF80, v4  }
0x20: {  	v3 =	vor.u32 v3, v4  }
0x21: {  	v4 =	vperm.xlane v3, v0;
	_ =	sdelay $0x1  }
0x22: {  	v4 =	vadd.s32 v1, v4;
	_ =	sdelay $0x3  }
0x23: {  	s23 =	simm.s32 $0x80  }
0x24: {  	[tilespmem:s23], [sflag:$0x1] =	stream.indirect_vreg.gather [hbm4b:s1+s18], $0x80, v4, vm0, $0xb8;
	[tilespmem:$0x12080] =	vst v63  }
0x25: {  	s20 =	simm.s32 $0x880  }
0x26: {  	[tilespmem:s20], [sflag:$0x1] =	stream.indirect_vreg.gather [hbm4b:s8+s18], $0x80, v4, vm0, $0xb8;
	[tilespmem:$0x12080] =	vst v63  }
0x27: {  	s21 =	simm.s32 $0x1080  }
0x28: {  	[tilespmem:s21], [sflag:$0x1] =	stream.indirect_vreg.gather [hbm4b:s9+s18], $0x80, v4, vm0, $0xb8;
	[tilespmem:$0x12080] =	vst v63  }
0x29: {  	s22 =	simm.s32 $0x1880  }
0x2a: {  	[tilespmem:s22], [sflag:$0x1] =	stream.indirect_vreg.gather [hbm4b:s10+s18], $0x80, v4, vm0, $0xb8;
	[tilespmem:$0x12080] =	vst v63  }
0x2b: {  	s23 =	simm.s32 $0x2080  }
0x2c: {  	[tilespmem:s23], [sflag:$0x1] =	stream.indirect_vreg.gather [hbm4b:s11+s18], $0x80, v4, vm0, $0xb8;
	[tilespmem:$0x12080] =	vst v63  }
0x2d: {  	v3 =	vperm.xlane v3, v2;
	s20 =	simm.s32 $0x2880  }
0x2e: {  	[tilespmem:s20], [sflag:$0x1] =	stream.indirect_vreg.gather [hbm4b:s12+s18], $0x80, v4, vm0, $0xb8;
	[tilespmem:$0x12080] =	vst v63  }
0x2f: {  	v3 =	vadd.s32 v1, v3;
	s21 =	simm.s32 $0x3080  }
0x30: {  	[tilespmem:s21], [sflag:$0x1] =	stream.indirect_vreg.gather [hbm4b:s13+s18], $0x80, v4, vm0, $0xb8;
	[tilespmem:$0x12080] =	vst v63  }
0x31: {  	s22 =	simm.s32 $0x3880  }
0x32: {  	[tilespmem:s22], [sflag:$0x1] =	stream.indirect_vreg.gather [hbm4b:s14+s18], $0x80, v4, vm0, $0xb8;
	[tilespmem:$0x12080] =	vst v63  }
0x33: {  	s23 =	simm.s32 $0x4080  }
0x34: {  	[tilespmem:s23], [sflag:$0x1] =	stream.indirect_vreg.gather [hbm4b:s1+s18], $0x80, v3, vm0, $0xb8;
	[tilespmem:$0x12080] =	vst v63  }
0x35: {  	s20 =	simm.s32 $0x4880  }
0x36: {  	[tilespmem:s20], [sflag:$0x1] =	stream.indirect_vreg.gather [hbm4b:s8+s18], $0x80, v3, vm0, $0xb8;
	[tilespmem:$0x12080] =	vst v63  }
0x37: {  	s21 =	simm.s32 $0x5080  }
0x38: {  	[tilespmem:s21], [sflag:$0x1] =	stream.indirect_vreg.gather [hbm4b:s9+s18], $0x80, v3, vm0, $0xb8;
	[tilespmem:$0x12080] =	vst v63  }
0x39: {  	s22 =	simm.s32 $0x5880  }
0x3a: {  	[tilespmem:s22], [sflag:$0x1] =	stream.indirect_vreg.gather [hbm4b:s10+s18], $0x80, v3, vm0, $0xb8;
	[tilespmem:$0x12080] =	vst v63  }
0x3b: {  	s23 =	simm.s32 $0x6080  }
0x3c: {  	[tilespmem:s23], [sflag:$0x1] =	stream.indirect_vreg.gather [hbm4b:s11+s18], $0x80, v3, vm0, $0xb8;
	[tilespmem:$0x12080] =	vst v63  }
0x3d: {  	s20 =	simm.s32 $0x6880  }
0x3e: {  	[tilespmem:s20], [sflag:$0x1] =	stream.indirect_vreg.gather [hbm4b:s12+s18], $0x80, v3, vm0, $0xb8;
	[tilespmem:$0x12080] =	vst v63  }
0x3f: {  	s21 =	simm.s32 $0x7080  }
0x40: {  	[tilespmem:s21], [sflag:$0x1] =	stream.indirect_vreg.gather [hbm4b:s13+s18], $0x80, v3, vm0, $0xb8;
	[tilespmem:$0x12080] =	vst v63  }
0x41: {  	s22 =	simm.s32 $0x7880  }
0x42: {  	[tilespmem:s22], [sflag:$0x1] =	stream.indirect_vreg.gather [hbm4b:s14+s18], $0x80, v3, vm0, $0xb8;
	[tilespmem:$0x12080] =	vst v63  }
0x43: {  	v3 =	vld [tilespmem:$0x10];
	_ =	sdelay $0x4  }
0x44: {  	v4 =	vshll.u32 v3, $0x4  }
0x45: {  	v3 =	vand.u32 $0x7, v3;
	v4 =	vand.u32 $0xFFFFFF80, v4  }
0x46: {  	v3 =	vor.u32 v3, v4  }
0x47: {  	v4 =	vperm.xlane v3, v0;
	_ =	sdelay $0x1  }
0x48: {  	v4 =	vadd.s32 v1, v4;
	_ =	sdelay $0x3  }
0x49: {  	s23 =	simm.s32 $0x8080  }
0x4a: {  	[tilespmem:s23], [sflag:$0x1] =	stream.indirect_vreg.gather [hbm4b:s1+s18], $0x80, v4, vm0, $0xb8;
	[tilespmem:$0x12080] =	vst v63  }
0x4b: {  	s20 =	simm.s32 $0x8880  }
0x4c: {  	[tilespmem:s20], [sflag:$0x1] =	stream.indirect_vreg.gather [hbm4b:s8+s18], $0x80, v4, vm0, $0xb8;
	[tilespmem:$0x12080] =	vst v63  }
0x4d: {  	s21 =	simm.s32 $0x9080  }
0x4e: {  	[tilespmem:s21], [sflag:$0x1] =	stream.indirect_vreg.gather [hbm4b:s9+s18], $0x80, v4, vm0, $0xb8;
	[tilespmem:$0x12080] =	vst v63  }
0x4f: {  	s22 =	simm.s32 $0x9880  }
0x50: {  	[tilespmem:s22], [sflag:$0x1] =	stream.indirect_vreg.gather [hbm4b:s10+s18], $0x80, v4, vm0, $0xb8;
	[tilespmem:$0x12080] =	vst v63  }
0x51: {  	s23 =	simm.s32 $0xA080  }
0x52: {  	[tilespmem:s23], [sflag:$0x1] =	stream.indirect_vreg.gather [hbm4b:s11+s18], $0x80, v4, vm0, $0xb8;
	[tilespmem:$0x12080] =	vst v63  }
0x53: {  	v3 =	vperm.xlane v3, v2;
	s20 =	simm.s32 $0xA880  }
0x54: {  	[tilespmem:s20], [sflag:$0x1] =	stream.indirect_vreg.gather [hbm4b:s12+s18], $0x80, v4, vm0, $0xb8;
	[tilespmem:$0x12080] =	vst v63  }
0x55: {  	v3 =	vadd.s32 v1, v3;
	s21 =	simm.s32 $0xB080  }
0x56: {  	[tilespmem:s21], [sflag:$0x1] =	stream.indirect_vreg.gather [hbm4b:s13+s18], $0x80, v4, vm0, $0xb8;
	[tilespmem:$0x12080] =	vst v63  }
0x57: {  	s22 =	simm.s32 $0xB880  }
0x58: {  	[tilespmem:s22], [sflag:$0x1] =	stream.indirect_vreg.gather [hbm4b:s14+s18], $0x80, v4, vm0, $0xb8;
	[tilespmem:$0x12080] =	vst v63  }
0x59: {  	s23 =	simm.s32 $0xC080  }
0x5a: {  	[tilespmem:s23], [sflag:$0x1] =	stream.indirect_vreg.gather [hbm4b:s1+s18], $0x80, v3, vm0, $0xb8;
	[tilespmem:$0x12080] =	vst v63  }
0x5b: {  	_ = 	snop  }
0x5c: {  	[tilespmem:s24], [sflag:$0x1] =	stream.indirect_vreg.gather [hbm4b:s8+s18], $0x80, v3, vm0, $0xb8;
	[tilespmem:$0x12080] =	vst v63  }
0x5d: {  	_ = 	snop  }
0x5e: {  	[tilespmem:s25], [sflag:$0x1] =	stream.indirect_vreg.gather [hbm4b:s9+s18], $0x80, v3, vm0, $0xb8;
	[tilespmem:$0x12080] =	vst v63  }
0x5f: {  	_ = 	snop  }
0x60: {  	[tilespmem:s26], [sflag:$0x1] =	stream.indirect_vreg.gather [hbm4b:s10+s18], $0x80, v3, vm0, $0xb8;
	[tilespmem:$0x12080] =	vst v63  }
0x61: {  	_ = 	snop  }
0x62: {  	[tilespmem:s28], [sflag:$0x1] =	stream.indirect_vreg.gather [hbm4b:s11+s18], $0x80, v3, vm0, $0xb8;
	[tilespmem:$0x12080] =	vst v63  }
0x63: {  	_ = 	snop  }
0x64: {  	[tilespmem:s29], [sflag:$0x1] =	stream.indirect_vreg.gather [hbm4b:s12+s18], $0x80, v3, vm0, $0xb8;
	[tilespmem:$0x12080] =	vst v63  }
0x65: {  	_ = 	snop  }
0x66: {  	[tilespmem:s30], [sflag:$0x1] =	stream.indirect_vreg.gather [hbm4b:s13+s18], $0x80, v3, vm0, $0xb8;
	[tilespmem:$0x12080] =	vst v63  }
0x67: {  	_ = 	snop  }
0x68: {  	[tilespmem:s31], [sflag:$0x1] =	stream.indirect_vreg.gather [hbm4b:s14+s18], $0x80, v3, vm0, $0xb8;
	[tilespmem:$0x12080] =	vst v63  }
0x69: {  	_ =	swait.ge [sflag:s0], $0x10000  }
0x6a: {  	[sflag:s0] =	ssyncset.done $0x0  }
0x6b: {  	[sflag:s0] =	ssyncadd.s32 $0xFFFF0000  }
0x6c: {  	v17 =	vld [tilespmem:$0x10080]  }
0x6d: {  	v18 =	vld [tilespmem:$0x10100]  }
0x6e: {  	v16 =	vld [tilespmem:$0x10180]  }
0x6f: {  	v15 =	vld [tilespmem:$0x10200]  }
0x70: {  	v14 =	vld [tilespmem:$0x10280]  }
0x71: {  	v13 =	vld [tilespmem:$0x10300]  }
0x72: {  	v12 =	vld [tilespmem:$0x10380]  }
0x73: {  	v11 =	vld [tilespmem:$0x10400]  }
0x74: {  	v10 =	vld [tilespmem:$0x10480]  }
0x75: {  	v9 =	vld [tilespmem:$0x10500]  }
0x76: {  	v8 =	vld [tilespmem:$0x10580]  }
0x77: {  	v7 =	vld [tilespmem:$0x10600]  }
0x78: {  	v6 =	vld [tilespmem:$0x10680]  }
0x79: {  	v4 =	vld [tilespmem:$0x10700]  }
0x7a: {  	s19 =	sand.u32 $0x70, s18;
	s20 =	sand.u32 $0x3C00, s18;
	v3 =	vld [tilespmem:$0x10780]  }
0x7b: {  	s21 =	sor.u32 s19, s20;
	s22 =	simm.s32 $0x80;
	v5 =	vld [tilespmem:$0x10800]  }
.LBB2_3:
0x7c: {  	p0 =	sne.s32 s22, $0x3F80;
	v19 =	vld [tilespmem:s21+$0x80]  }
0x7d: {  	v20 =	vld [tilespmem:s21+$0x100];
	_ =	sdelay $0x1  }
0x7e: {  	v21 =	vld [tilespmem:s21+$0x180];
	_ =	sdelay $0x1  }
0x7f: {  	v22 =	vld [tilespmem:s21+$0x200]  }
0x80: {  	v19 =	vmul.f32 v19, v17;
	v20 =	vmul.f32 v20, v18  }
0x81: {  	v23 =	vld [tilespmem:s21+$0x280]  }
0x82: {  	v19 =	vadd.f32 v20, v19;
	v20 =	vmul.f32 v21, v16  }
0x83: {  	v21 =	vld [tilespmem:s21+$0x300]  }
0x84: {  	v19 =	vadd.f32 v20, v19;
	v20 =	vmul.f32 v22, v15  }
0x85: {  	v22 =	vld [tilespmem:s21+$0x380]  }
0x86: {  	v19 =	vadd.f32 v20, v19;
	v20 =	vmul.f32 v23, v14  }
0x87: {  	v23 =	vld [tilespmem:s21+$0x400]  }
0x88: {  	v19 =	vadd.f32 v20, v19;
	v20 =	vmul.f32 v21, v13  }
0x89: {  	v21 =	vld [tilespmem:s21+$0x4080]  }
0x8a: {  	v19 =	vadd.f32 v20, v19;
	v20 =	vmul.f32 v22, v12  }
0x8b: {  	v22 =	vld [tilespmem:s21+$0x4100]  }
0x8c: {  	v19 =	vadd.f32 v20, v19;
	v20 =	vmul.f32 v23, v11  }
0x8d: {  	v23 =	vld [tilespmem:s21+$0x4180]  }
0x8e: {  	v19 =	vadd.f32 v20, v19;
	v20 =	vmul.f32 v21, v10  }
0x8f: {  	v21 =	vld [tilespmem:s21+$0x4200]  }
0x90: {  	v19 =	vadd.f32 v20, v19;
	v20 =	vmul.f32 v22, v9  }
0x91: {  	v22 =	vld [tilespmem:s21+$0x4280]  }
0x92: {  	v19 =	vadd.f32 v20, v19;
	v20 =	vmul.f32 v23, v8  }
0x93: {  	v23 =	vld [tilespmem:s21+$0x4300]  }
0x94: {  	v19 =	vadd.f32 v20, v19;
	v20 =	vmul.f32 v21, v7  }
0x95: {  	v21 =	vld [tilespmem:s21+$0x4380]  }
0x96: {  	v19 =	vadd.f32 v20, v19;
	v20 =	vmul.f32 v22, v6  }
0x97: {  	v22 =	vld [tilespmem:s21+$0x4400]  }
0x98: {  	v19 =	vadd.f32 v20, v19;
	v20 =	vmul.f32 v23, v4;
	_ =	sdelay $0x1  }
0x99: {  	v19 =	vadd.f32 v20, v19;
	v20 =	vmul.f32 v21, v3;
	_ =	sdelay $0x1  }
.Ltmp0:
0x9a: {  	v19 =	vadd.f32 v20, v19;
	v20 =	vmul.f32 v22, v5;
	(pc) =	sbr.rel @p0 .LBB2_3-.Ltmp0, $4  }
0x9b: {  	_ = 	snop  }
0x9c: {  	s18 =	sadd.s32 $0x10, s18;
	s21 =	sshrl.u32 s20, $0x2;
	v19 =	vadd.f32 v20, v19  }
0x9d: {  	s20 =	sand.u32 $0x3C00, s22;
	s23 =	sor.u32 s19, s21;
	s19 =	sand.u32 $0x70, s18  }
0x9e: {  	s22 =	sadd.s32 $0x80, s22;
	s21 =	sor.u32 s19, s20;
	[tilespmem:s23+$0x11080] =	vst v19  }
0x9f: {  	v19 =	vld [tilespmem:s21+$0x80]  }
0xa0: {  	v20 =	vld [tilespmem:s21+$0x100];
	_ =	sdelay $0x1  }
0xa1: {  	v21 =	vld [tilespmem:s21+$0x180];
	_ =	sdelay $0x1  }
0xa2: {  	v22 =	vld [tilespmem:s21+$0x200]  }
0xa3: {  	v17 =	vmul.f32 v19, v17;
	v18 =	vmul.f32 v20, v18  }
0xa4: {  	v19 =	vld [tilespmem:s21+$0x280]  }
0xa5: {  	v16 =	vmul.f32 v21, v16;
	v17 =	vadd.f32 v18, v17  }
0xa6: {  	v18 =	vld [tilespmem:s21+$0x300]  }
0xa7: {  	v15 =	vmul.f32 v22, v15;
	v16 =	vadd.f32 v16, v17  }
0xa8: {  	v17 =	vld [tilespmem:s21+$0x380]  }
0xa9: {  	v14 =	vmul.f32 v19, v14;
	v15 =	vadd.f32 v15, v16  }
0xaa: {  	v16 =	vld [tilespmem:s21+$0x400]  }
0xab: {  	v13 =	vmul.f32 v18, v13;
	v14 =	vadd.f32 v14, v15  }
0xac: {  	v15 =	vld [tilespmem:s21+$0x4080]  }
0xad: {  	v12 =	vmul.f32 v17, v12;
	v13 =	vadd.f32 v13, v14  }
0xae: {  	v14 =	vld [tilespmem:s21+$0x4100]  }
0xaf: {  	v11 =	vmul.f32 v16, v11;
	v12 =	vadd.f32 v12, v13  }
0xb0: {  	v13 =	vld [tilespmem:s21+$0x4180]  }
0xb1: {  	v10 =	vmul.f32 v15, v10;
	v11 =	vadd.f32 v11, v12  }
0xb2: {  	v12 =	vld [tilespmem:s21+$0x4200]  }
0xb3: {  	v9 =	vmul.f32 v14, v9;
	v10 =	vadd.f32 v10, v11  }
0xb4: {  	v11 =	vld [tilespmem:s21+$0x4280]  }
0xb5: {  	v8 =	vmul.f32 v13, v8;
	v9 =	vadd.f32 v9, v10  }
0xb6: {  	v10 =	vld [tilespmem:s21+$0x4300]  }
0xb7: {  	v7 =	vmul.f32 v12, v7;
	v8 =	vadd.f32 v8, v9  }
0xb8: {  	v9 =	vld [tilespmem:s21+$0x4380]  }
0xb9: {  	v6 =	vmul.f32 v11, v6;
	v7 =	vadd.f32 v7, v8  }
0xba: {  	v8 =	vld [tilespmem:s21+$0x4400]  }
0xbb: {  	v4 =	vmul.f32 v10, v4;
	v6 =	vadd.f32 v6, v7;
	_ =	sdelay $0x1  }
0xbc: {  	v3 =	vmul.f32 v9, v3;
	v4 =	vadd.f32 v4, v6;
	_ =	sdelay $0x1  }
0xbd: {  	v3 =	vadd.f32 v3, v4;
	v4 =	vmul.f32 v8, v5;
	_ =	sdelay $0x1  }
0xbe: {  	s18 =	sshrl.u32 s20, $0x2;
	v3 =	vadd.f32 v4, v3  }
0xbf: {  	s18 =	sor.u32 s19, s18  }
0xc0: {  	[tilespmem:s18+$0x11080] =	vst v3  }
0xc1: {  	v17 =	vld [tilespmem:$0x10880]  }
0xc2: {  	v18 =	vld [tilespmem:$0x10900]  }
0xc3: {  	v16 =	vld [tilespmem:$0x10980]  }
0xc4: {  	v15 =	vld [tilespmem:$0x10A00]  }
0xc5: {  	v14 =	vld [tilespmem:$0x10A80]  }
0xc6: {  	v13 =	vld [tilespmem:$0x10B00]  }
0xc7: {  	v12 =	vld [tilespmem:$0x10B80]  }
0xc8: {  	v11 =	vld [tilespmem:$0x10C00]  }
0xc9: {  	v10 =	vld [tilespmem:$0x10C80]  }
0xca: {  	v9 =	vld [tilespmem:$0x10D00]  }
0xcb: {  	v8 =	vld [tilespmem:$0x10D80]  }
0xcc: {  	v7 =	vld [tilespmem:$0x10E00]  }
0xcd: {  	v6 =	vld [tilespmem:$0x10E80]  }
0xce: {  	s21 =	simm.s32 $0x0;
	v3 =	vld [tilespmem:$0x10F00]  }
0xcf: {  	s19 =	sand.u32 $0x3C00, s21;
	s18 =	sand.u32 $0x70, s21;
	v4 =	vld [tilespmem:$0x10F80]  }
0xd0: {  	s22 =	simm.s32 $0x80;
	v5 =	vld [tilespmem:$0x11000];
	s20 =	sor.u32 s18, s19  }
.LBB2_5:
0xd1: {  	p0 =	sne.s32 s22, $0x3F80;
	v19 =	vld [tilespmem:s20+$0x8080]  }
0xd2: {  	v20 =	vld [tilespmem:s20+$0x8100];
	_ =	sdelay $0x1  }
0xd3: {  	v21 =	vld [tilespmem:s20+$0x8180];
	_ =	sdelay $0x1  }
0xd4: {  	v22 =	vld [tilespmem:s20+$0x8200]  }
0xd5: {  	v19 =	vmul.f32 v19, v17;
	v20 =	vmul.f32 v20, v18  }
0xd6: {  	v23 =	vld [tilespmem:s20+$0x8280]  }
0xd7: {  	v19 =	vadd.f32 v20, v19;
	v20 =	vmul.f32 v21, v16  }
0xd8: {  	v21 =	vld [tilespmem:s20+$0x8300]  }
0xd9: {  	v19 =	vadd.f32 v20, v19;
	v20 =	vmul.f32 v22, v15  }
0xda: {  	v22 =	vld [tilespmem:s20+$0x8380]  }
0xdb: {  	v19 =	vadd.f32 v20, v19;
	v20 =	vmul.f32 v23, v14  }
0xdc: {  	v23 =	vld [tilespmem:s20+$0x8400]  }
0xdd: {  	v19 =	vadd.f32 v20, v19;
	v20 =	vmul.f32 v21, v13  }
0xde: {  	v21 =	vld [tilespmem:s20+$0xC080]  }
0xdf: {  	v19 =	vadd.f32 v20, v19;
	v20 =	vmul.f32 v22, v12  }
0xe0: {  	v22 =	vld [tilespmem:s20+$0xC100]  }
0xe1: {  	v19 =	vadd.f32 v20, v19;
	v20 =	vmul.f32 v23, v11  }
0xe2: {  	v23 =	vld [tilespmem:s20+$0xC180]  }
0xe3: {  	v19 =	vadd.f32 v20, v19;
	v20 =	vmul.f32 v21, v10  }
0xe4: {  	v21 =	vld [tilespmem:s20+$0xC200]  }
0xe5: {  	v19 =	vadd.f32 v20, v19;
	v20 =	vmul.f32 v22, v9  }
0xe6: {  	v22 =	vld [tilespmem:s20+$0xC280]  }
0xe7: {  	v19 =	vadd.f32 v20, v19;
	v20 =	vmul.f32 v23, v8  }
0xe8: {  	v23 =	vld [tilespmem:s20+$0xC300]  }
0xe9: {  	v19 =	vadd.f32 v20, v19;
	v20 =	vmul.f32 v21, v7  }
0xea: {  	v21 =	vld [tilespmem:s20+$0xC380]  }
0xeb: {  	v19 =	vadd.f32 v20, v19;
	v20 =	vmul.f32 v22, v6  }
0xec: {  	v22 =	vld [tilespmem:s20+$0xC400]  }
0xed: {  	v19 =	vadd.f32 v20, v19;
	v20 =	vmul.f32 v23, v3;
	_ =	sdelay $0x1  }
0xee: {  	v19 =	vadd.f32 v20, v19;
	v20 =	vmul.f32 v21, v4;
	_ =	sdelay $0x1  }
.Ltmp1:
0xef: {  	v19 =	vadd.f32 v20, v19;
	v20 =	vmul.f32 v22, v5;
	(pc) =	sbr.rel @p0 .LBB2_5-.Ltmp1, $4  }
0xf0: {  	_ = 	snop  }
0xf1: {  	s21 =	sadd.s32 $0x10, s21;
	s20 =	sshrl.u32 s19, $0x2;
	v19 =	vadd.f32 v20, v19  }
0xf2: {  	s19 =	sand.u32 $0x3C00, s22;
	s23 =	sor.u32 s18, s20;
	s18 =	sand.u32 $0x70, s21  }
0xf3: {  	s22 =	sadd.s32 $0x80, s22;
	s20 =	sor.u32 s18, s19;
	[tilespmem:s23+$0x11100] =	vst v19  }
0xf4: {  	v19 =	vld [tilespmem:s20+$0x8080]  }
0xf5: {  	v20 =	vld [tilespmem:s20+$0x8100];
	_ =	sdelay $0x1  }
0xf6: {  	v21 =	vld [tilespmem:s20+$0x8180];
	_ =	sdelay $0x1  }
0xf7: {  	v22 =	vld [tilespmem:s20+$0x8200]  }
0xf8: {  	v17 =	vmul.f32 v19, v17;
	v18 =	vmul.f32 v20, v18  }
0xf9: {  	v51 =	vld [tilespmem:s20+$0x8280]  }
0xfa: {  	v16 =	vmul.f32 v21, v16;
	v17 =	vadd.f32 v18, v17  }
0xfb: {  	v52 =	vld [tilespmem:s20+$0x8300]  }
0xfc: {  	v15 =	vmul.f32 v22, v15;
	v16 =	vadd.f32 v16, v17  }
0xfd: {  	v53 =	vld [tilespmem:s20+$0x8380]  }
0xfe: {  	v14 =	vmul.f32 v51, v14;
	v15 =	vadd.f32 v15, v16  }
0xff: {  	v54 =	vld [tilespmem:s20+$0x8400]  }
0x100: {  	v13 =	vmul.f32 v52, v13;
	v14 =	vadd.f32 v14, v15  }
0x101: {  	v55 =	vld [tilespmem:s20+$0xC080]  }
0x102: {  	v12 =	vmul.f32 v53, v12;
	v13 =	vadd.f32 v13, v14  }
0x103: {  	v56 =	vld [tilespmem:s20+$0xC100]  }
0x104: {  	v11 =	vmul.f32 v54, v11;
	v12 =	vadd.f32 v12, v13  }
0x105: {  	v57 =	vld [tilespmem:s20+$0xC180]  }
0x106: {  	v10 =	vmul.f32 v55, v10;
	v11 =	vadd.f32 v11, v12  }
0x107: {  	v58 =	vld [tilespmem:s20+$0xC200]  }
0x108: {  	v9 =	vmul.f32 v56, v9;
	v10 =	vadd.f32 v10, v11  }
0x109: {  	v59 =	vld [tilespmem:s20+$0xC280]  }
0x10a: {  	v8 =	vmul.f32 v57, v8;
	v9 =	vadd.f32 v9, v10  }
0x10b: {  	v60 =	vld [tilespmem:s20+$0xC300]  }
0x10c: {  	v7 =	vmul.f32 v58, v7;
	v8 =	vadd.f32 v8, v9  }
0x10d: {  	v61 =	vld [tilespmem:s20+$0xC380]  }
0x10e: {  	v6 =	vmul.f32 v59, v6;
	v7 =	vadd.f32 v7, v8  }
0x10f: {  	v62 =	vld [tilespmem:s20+$0xC400]  }
0x110: {  	v3 =	vmul.f32 v60, v3;
	v6 =	vadd.f32 v6, v7;
	_ =	sdelay $0x1  }
0x111: {  	v4 =	vmul.f32 v61, v4;
	v3 =	vadd.f32 v3, v6;
	_ =	sdelay $0x1  }
0x112: {  	v63 =	vmul.f32 v62, v5;
	v3 =	vadd.f32 v4, v3  }
0x113: {  	s22 =	sshll.u32 s2, $0x5;
	s19 =	sshrl.u32 s19, $0x2  }
0x114: {  	s17 =	sand.u32 $0xFF800, s17;
	s2 =	sadd.s32 $0x1, s2;
	s20 =	sand.u32 $0x60, s22;
	v3 =	vadd.f32 v63, v3  }
0x115: {  	s18 =	sor.u32 s18, s19;
	p0 =	sne.s32 s2, $0x40;
	s23 =	sadd.s32 s6, s20  }
.Ltmp2:
0x116: {  	s17 =	sadd.s32 s17, s23;
	[tilespmem:s18+$0x11100] =	vst v3;
	(pc) =	sbr.rel @p0 .LBB2_2-.Ltmp2, $4  }
0x117: {  	[hbm4b:s17+s4] =	stream.strided.scatter [tilespmem:s3], [sflag:$0x2], $0x1000, s15, s4, $0x38;
	[tilespmem:$0x12080] =	vst v63  }
0x118: {  	_ =	swait.ge [sflag:s16], $0x1000  }
0x119: {  	[sflag:s16] =	ssyncset.done $0x0  }
0x11a: {  	[sflag:s16] =	ssyncadd.s32 $0xFFFFF000  }
0x11b: {  	s17 =	rddreg [dreg:$0x4]  }
0x11c: {  	s2 =	rddreg [dreg:$0x5];
	s17 =	sadd.s32 $0x1, s17  }
0x11d: {  	p0 =	sne.s32 s17, s2  }
.Ltmp3:
0x11e: {  	_ = 	snop;
	(pc) =	sbr.rel @p0 .LBB2_1-.Ltmp3, $1  }
0x11f: {  	_ =	sdelay $0x3  }
0x120: {  	_ =	sfence.sel $0x180000  }
0x121: {  	[bflag:$0x0] =	sbarrier.arrive $0xFFFF  }
0x122: {  	_ =	strace $0x90000047  }
0x123: {  	s0 =	stileid.u32;
	[bflag:$0x2] =	sbarrier.arrive $0xFFFF  }
0x124: {  	p0 =	sne.s32 s0, $0x0;
	s0 =	rddreg [dreg:$0x3]  }
0x125: {  	s0 =	sadd.s32 @!p0 $0x100000, s0  }
0x126: {  	[sflag:s0] =	ssyncadd.tile.s32 @!p0 $0x1;
	_ =	shalt  }
.Lfunc_end2:
_tile_overlayer_lowered:
.L_overlay_start_2:
0x127: {  	(tag) =	ssettag $0x2  }
0x128: {  	s0 =	rddreg [dreg:$0x0];
	s2 =	stileid.u32  }
0x129: {  	s1 =	rddreg [dreg:$0x1];
	p0 =	sne.s32 s2, $0x0  }
0x12a: {  	s3 =	rddreg [dreg:$0x2];
	[bflag:$0x3] =	sbarrier.arrive $0xFFFF;
	s2 =	simm.s32 @!p0 $0x1C02  }
0x12b: {  	[timem:s3], [sflag:s2] =	dma.local @!p0 [hbm:s0], s1  }
0x12c: {  	s0 =	simm.s32 @!p0 $0x2  }
0x12d: {  	_ =	swait.ge @!p0 [sflag:s0], s1  }
0x12e: {  	s1 =	ssub.s32 @!p0 $0x0, s1;
	[sflag:s0] =	ssyncset.done @!p0 $0x0  }
0x12f: {  	[sflag:s0] =	ssyncadd.s32 @!p0 s1  }
0x130: {  	[bflag:$0x3] =	sbarrier.arrive $0xFFFF  }
0x131: {  	_ =	shalt  }

</sc_bundles>
